<compile_context>
chip_gen: v7x
topology: tpu7x:2x2x1
jax: 0.10.2.dev20260603
libtpu: 0.0.44.dev20260713+nightly
codegen_flags: <defaults>
</compile_context>

<pallas_src>
import functools

import jax
import jax.numpy as jnp
from jax import lax
from jax.experimental import pallas as pl
from jax.experimental.pallas import tpu as pltpu
from jax.experimental.pallas import tpu_sc as plsc

NUM_FIELDS = 26
VOCAB = 100000
EMB = 32
BATCH = 16384

NC, NS, L = 2, 16, 16
NW = NC * NS
P = NUM_FIELDS * EMB
OCHUNK = 4096

_mesh = plsc.VectorSubcoreMesh(core_axis_name="c", subcore_axis_name="s")


@functools.partial(
    pl.kernel,
    out_type=jax.ShapeDtypeStruct((P, BATCH), jnp.float32),
    mesh=_mesh,
    compiler_params=pltpu.CompilerParams(
        use_tc_tiling_on_sc=True, needs_layout_passes=False
    ),
    scratch_types=[
        pltpu.VMEM((VOCAB,), jnp.float32),
        pltpu.VMEM((BATCH,), jnp.int32),
        pltpu.VMEM((2, OCHUNK), jnp.float32),
        pltpu.SemaphoreType.DMA,
        pltpu.SemaphoreType.DMA,
        pltpu.SemaphoreType.DMA,
    ],
)
def _gather_kernel(xt_hbm, tt_hbm, out_hbm, row_v, idx_v, out_v,
                   isem, osem0, osem1):
    wid = lax.axis_index("s") * NC + lax.axis_index("c")
    NCH = BATCH // OCHUNK
    UNROLL = 8
    PPW = P // NW

    p_lo = wid * PPW
    p_hi = p_lo + PPW
    f_lo = p_lo // EMB
    f_hi = (p_hi - 1) // EMB

    def field_body(f, carry):
        pltpu.sync_copy(xt_hbm.at[f], idx_v)
        q_lo = lax.max(p_lo, f * EMB)
        q_hi = lax.min(p_hi, (f + 1) * EMB)

        def row_body(p, carry2):
            pltpu.async_copy(tt_hbm.at[p], row_v, isem).wait()

            osems = (osem0, osem1)
            prev = [None, None]
            for c in range(NCH):
                b = c % 2
                if prev[b] is not None:
                    prev[b].wait()

                @plsc.parallel_loop(0, OCHUNK, step=L, unroll=UNROLL)
                def _gather_chunk(j):
                    out_v[b, pl.ds(j, L)] = plsc.load_gather(
                        row_v, [idx_v[pl.ds(c * OCHUNK + j, L)]]
                    )
                prev[b] = pltpu.async_copy(
                    out_v.at[b],
                    out_hbm.at[p, pl.ds(c * OCHUNK, OCHUNK)],
                    osems[b],
                )
            prev[0].wait()
            prev[1].wait()
            return carry2

        lax.fori_loop(q_lo, q_hi, row_body, 0)
        return carry

    lax.fori_loop(f_lo, f_hi + 1, field_body, 0)


def kernel(x, tables):
    if x.ndim <= 1:
        x = x[None, :]
    xt = x.T.astype(jnp.int32)
    tt = tables.transpose(0, 2, 1).reshape(P, VOCAB)
    out_t = _gather_kernel(xt, tt)
    return (
        out_t.reshape(NUM_FIELDS, EMB, BATCH)
        .transpose(2, 0, 1)
        .reshape(BATCH, P)
    )

# --- scband reference (transcript-rebuilt; emitter-appended) ---
"""Pipeline reference for scband-concatenated-embeddings-32014686224845 (READ-ONLY COPY).

The authoritative reference and input builder live on the scoring server;
editing this copy changes nothing except your own understanding.
"""

import jax, jax.numpy as jnp
import numpy as np

NUM_FIELDS = 26
VOCAB = 100000
EMB = 32
BATCH = 16384

def setup_inputs(seed: int = 0) -> dict:
    key = jax.random.key(seed)
    k1, k2 = jax.random.split(key)
    x = jax.random.randint(k1, (BATCH, NUM_FIELDS), 0, VOCAB, dtype=jnp.int32)
    # All 26 tables have identical (cardinality, emb) shapes, so stack them.
    tables = jax.random.normal(k2, (NUM_FIELDS, VOCAB, EMB), dtype=jnp.float32) * 0.01
    return {"x": x, "tables": tables}

def reference(x, tables):
    if x.ndim <= 1:
        x = x[None, :]
    # One embedding lookup per categorical column, then concat (dropout p=0.0 is identity).
    embs = [jnp.take(tables[i], x[:, i], axis=0) for i in range(tables.shape[0])]
    out = jnp.concatenate(embs, axis=1)
    return out

if __name__ == "__main__":
    import jax
    _d = setup_inputs()
    print(jax.jit(kernel)(*tuple(_d.values())))

</pallas_src>

<mosaic_0001>
#map = affine_map<(d0, d1) -> (0, 0)>
module attributes {stable_mosaic.version = 14 : i64} {
  func.func @_gather_kernel(%arg0: i32, %arg1: i32, %arg2: memref<26x16384xi32, #tpu.memory_space<hbm>>, %arg3: memref<832x100000xf32, #tpu.memory_space<hbm>>, %arg4: memref<832x16384xf32, #tpu.memory_space<hbm>>, %arg5: memref<100000xf32, #tpu.memory_space<vmem>>, %arg6: memref<16384xi32, #tpu.memory_space<vmem>>, %arg7: memref<2x4096xf32, #tpu.memory_space<vmem>>, %arg8: memref<!tpu.dma_semaphore, #tpu.memory_space<semaphore_mem>>, %arg9: memref<!tpu.dma_semaphore, #tpu.memory_space<semaphore_mem>>, %arg10: memref<!tpu.dma_semaphore, #tpu.memory_space<semaphore_mem>>) attributes {dimension_semantics = [#tpu.dimension_semantics<core_parallel>, #tpu.dimension_semantics<subcore_parallel>], iteration_bounds = array<i64: 2, 16>, scalar_prefetch = 0 : i64, scratch_operands = 6 : i64, tpu.core_type = #tpu.core_type<sc_vector_subcore>, window_params = [{transform_indices = #map}, {transform_indices = #map}, {transform_indices = #map}]} {
    %mul3A = arith.constant 2 : i32
    %mul3A_0 = arith.muli %arg1, %mul3A : i32
    %add3A = arith.addi %mul3A_0, %arg0 : i32
    %mul3A_1 = arith.constant 26 : i32
    %mul3A_2 = arith.muli %add3A, %mul3A_1 : i32
    %add3A_3 = arith.constant 26 : i32
    %add3A_4 = arith.addi %mul3A_2, %add3A_3 : i32
    %jit3A = arith.constant 32 : i32
    %div3A = arith.divsi %mul3A_2, %jit3A : i32
    %sign3A = arith.constant 0 : i32
    %sign3A_5 = arith.cmpi sgt, %mul3A_2, %sign3A : i32
    %sign3A_6 = arith.extui %sign3A_5 : i1 to i32
    %sign3A_7 = arith.constant 0 : i32
    %sign3A_8 = arith.cmpi slt, %mul3A_2, %sign3A_7 : i32
    %sign3A_9 = arith.extui %sign3A_8 : i1 to i32
    %sign3A_10 = arith.subi %sign3A_6, %sign3A_9 : i32
    %sign3A_11 = arith.constant 0 : i32
    %sign3A_12 = arith.cmpi sgt, %jit3A, %sign3A_11 : i32
    %sign3A_13 = arith.extui %sign3A_12 : i1 to i32
    %sign3A_14 = arith.constant 0 : i32
    %sign3A_15 = arith.cmpi slt, %jit3A, %sign3A_14 : i32
    %sign3A_16 = arith.extui %sign3A_15 : i1 to i32
    %sign3A_17 = arith.subi %sign3A_13, %sign3A_16 : i32
    %ne3A = arith.cmpi ne, %sign3A_10, %sign3A_17 : i32
    %rem3A = arith.remsi %mul3A_2, %jit3A : i32
    %ne3A_18 = arith.constant 0 : i32
    %ne3A_19 = arith.cmpi ne, %rem3A, %ne3A_18 : i32
    %and3A = arith.andi %ne3A, %ne3A_19 : i1
    %sub3A = arith.constant 1 : i32
    %sub3A_20 = arith.subi %div3A, %sub3A : i32
    %select_n3A = arith.select %and3A, %sub3A_20, %div3A : i32
    %sub3A_21 = arith.constant 1 : i32
    %sub3A_22 = arith.subi %add3A_4, %sub3A_21 : i32
    %jit3A_23 = arith.constant 32 : i32
    %div3A_24 = arith.divsi %sub3A_22, %jit3A_23 : i32
    %sign3A_25 = arith.constant 0 : i32
    %sign3A_26 = arith.cmpi sgt, %sub3A_22, %sign3A_25 : i32
    %sign3A_27 = arith.extui %sign3A_26 : i1 to i32
    %sign3A_28 = arith.constant 0 : i32
    %sign3A_29 = arith.cmpi slt, %sub3A_22, %sign3A_28 : i32
    %sign3A_30 = arith.extui %sign3A_29 : i1 to i32
    %sign3A_31 = arith.subi %sign3A_27, %sign3A_30 : i32
    %sign3A_32 = arith.constant 0 : i32
    %sign3A_33 = arith.cmpi sgt, %jit3A_23, %sign3A_32 : i32
    %sign3A_34 = arith.extui %sign3A_33 : i1 to i32
    %sign3A_35 = arith.constant 0 : i32
    %sign3A_36 = arith.cmpi slt, %jit3A_23, %sign3A_35 : i32
    %sign3A_37 = arith.extui %sign3A_36 : i1 to i32
    %sign3A_38 = arith.subi %sign3A_34, %sign3A_37 : i32
    %ne3A_39 = arith.cmpi ne, %sign3A_31, %sign3A_38 : i32
    %rem3A_40 = arith.remsi %sub3A_22, %jit3A_23 : i32
    %ne3A_41 = arith.constant 0 : i32
    %ne3A_42 = arith.cmpi ne, %rem3A_40, %ne3A_41 : i32
    %and3A_43 = arith.andi %ne3A_39, %ne3A_42 : i1
    %sub3A_44 = arith.constant 1 : i32
    %sub3A_45 = arith.subi %div3A_24, %sub3A_44 : i32
    %select_n3A_46 = arith.select %and3A_43, %sub3A_45, %div3A_24 : i32
    %add3A_47 = arith.constant 1 : i32
    %add3A_48 = arith.addi %select_n3A_46, %add3A_47 : i32
    %while3A = arith.constant 0 : i32
    %while3A_49 = arith.subi %add3A_48, %select_n3A : i32
    %while3A_50 = arith.addi %select_n3A, %while3A_49 : i32
    %while3A_51 = arith.constant 1 : i32
    %while3A_52 = arith.divsi %while3A_49, %while3A_51 : i32
    %while3A_53 = arith.muli %while3A_52, %while3A_51 : i32
    %while3A_54 = arith.addi %select_n3A, %while3A_53 : i32
    %while3A_55 = arith.constant 1 : i32
    scf.for %while3A_57 = %select_n3A to %while3A_54 step %while3A_55  : i32 {
      "tpu.region"() ({
        %run_scoped3A = tpu.sem_alloc : memref<!tpu.dma_semaphore, #tpu.memory_space<semaphore_mem>>
        %dma_start3A = arith.constant 0 : i32
        %dma_start3A_73 = tpu.memref_slice %arg2[%while3A_57, %dma_start3A] : memref<26x16384xi32, #tpu.memory_space<hbm>> -> memref<1x16384xi32, #tpu.memory_space<hbm>>
        %dma_start3A_74 = tpu.memref_squeeze %dma_start3A_73 : memref<1x16384xi32, #tpu.memory_space<hbm>> -> memref<16384xi32, #tpu.memory_space<hbm>>
        %dma_start3A_75 = arith.constant 0 : i32
        %dma_start3A_76 = tpu.memref_slice %arg2[%while3A_57, %dma_start3A_75] : memref<26x16384xi32, #tpu.memory_space<hbm>> -> memref<1x16384xi32, #tpu.memory_space<hbm>>
        %dma_start3A_77 = tpu.memref_squeeze %dma_start3A_76 : memref<1x16384xi32, #tpu.memory_space<hbm>> -> memref<16384xi32, #tpu.memory_space<hbm>>
        tpu.enqueue_dma source(%dma_start3A_77 : memref<16384xi32, #tpu.memory_space<hbm>>) target(%arg6 : memref<16384xi32, #tpu.memory_space<vmem>>) target_semaphore(%run_scoped3A : memref<!tpu.dma_semaphore, #tpu.memory_space<semaphore_mem>>)
        %dma_wait3A = arith.constant 0 : i32
        %dma_wait3A_78 = tpu.memref_slice %arg2[%while3A_57, %dma_wait3A] : memref<26x16384xi32, #tpu.memory_space<hbm>> -> memref<1x16384xi32, #tpu.memory_space<hbm>>
        %dma_wait3A_79 = tpu.memref_squeeze %dma_wait3A_78 : memref<1x16384xi32, #tpu.memory_space<hbm>> -> memref<16384xi32, #tpu.memory_space<hbm>>
        %dma_wait3A_80 = arith.constant 0 : i32
        %dma_wait3A_81 = tpu.memref_slice %arg2[%while3A_57, %dma_wait3A_80] : memref<26x16384xi32, #tpu.memory_space<hbm>> -> memref<1x16384xi32, #tpu.memory_space<hbm>>
        %dma_wait3A_82 = tpu.memref_squeeze %dma_wait3A_81 : memref<1x16384xi32, #tpu.memory_space<hbm>> -> memref<16384xi32, #tpu.memory_space<hbm>>
        tpu.wait_dma2 semaphore(%run_scoped3A : memref<!tpu.dma_semaphore, #tpu.memory_space<semaphore_mem>>) src(%dma_wait3A_82 : memref<16384xi32, #tpu.memory_space<hbm>>) dst(%arg6 : memref<16384xi32, #tpu.memory_space<vmem>>)
        tpu.yield
      }) : () -> ()
      %mul3A_58 = arith.constant 32 : i32
      %mul3A_59 = arith.muli %while3A_57, %mul3A_58 : i32
      %max3A = arith.maxsi %mul3A_2, %mul3A_59 : i32
      %add3A_60 = arith.constant 1 : i32
      %add3A_61 = arith.addi %while3A_57, %add3A_60 : i32
      %mul3A_62 = arith.constant 32 : i32
      %mul3A_63 = arith.muli %add3A_61, %mul3A_62 : i32
      %min3A = arith.minsi %add3A_4, %mul3A_63 : i32
      %while3A_64 = arith.constant 0 : i32
      %while3A_65 = arith.subi %min3A, %max3A : i32
      %while3A_66 = arith.addi %max3A, %while3A_65 : i32
      %while3A_67 = arith.constant 1 : i32
      %while3A_68 = arith.divsi %while3A_65, %while3A_67 : i32
      %while3A_69 = arith.muli %while3A_68, %while3A_67 : i32
      %while3A_70 = arith.addi %max3A, %while3A_69 : i32
      %while3A_71 = arith.constant 1 : i32
      scf.for %while3A_73 = %max3A to %while3A_70 step %while3A_71  : i32 {
        %dma_start3A = arith.constant 0 : i32
        %dma_start3A_74 = tpu.memref_slice %arg3[%while3A_73, %dma_start3A] : memref<832x100000xf32, #tpu.memory_space<hbm>> -> memref<1x100000xf32, #tpu.memory_space<hbm>>
        %dma_start3A_75 = tpu.memref_squeeze %dma_start3A_74 : memref<1x100000xf32, #tpu.memory_space<hbm>> -> memref<100000xf32, #tpu.memory_space<hbm>>
        %dma_start3A_76 = arith.constant 0 : i32
        %dma_start3A_77 = tpu.memref_slice %arg3[%while3A_73, %dma_start3A_76] : memref<832x100000xf32, #tpu.memory_space<hbm>> -> memref<1x100000xf32, #tpu.memory_space<hbm>>
        %dma_start3A_78 = tpu.memref_squeeze %dma_start3A_77 : memref<1x100000xf32, #tpu.memory_space<hbm>> -> memref<100000xf32, #tpu.memory_space<hbm>>
        tpu.enqueue_dma source(%dma_start3A_78 : memref<100000xf32, #tpu.memory_space<hbm>>) target(%arg5 : memref<100000xf32, #tpu.memory_space<vmem>>) target_semaphore(%arg8 : memref<!tpu.dma_semaphore, #tpu.memory_space<semaphore_mem>>)
        %dma_wait3A = arith.constant 0 : i32
        %dma_wait3A_79 = tpu.memref_slice %arg3[%while3A_73, %dma_wait3A] : memref<832x100000xf32, #tpu.memory_space<hbm>> -> memref<1x100000xf32, #tpu.memory_space<hbm>>
        %dma_wait3A_80 = tpu.memref_squeeze %dma_wait3A_79 : memref<1x100000xf32, #tpu.memory_space<hbm>> -> memref<100000xf32, #tpu.memory_space<hbm>>
        %dma_wait3A_81 = arith.constant 0 : i32
        %dma_wait3A_82 = tpu.memref_slice %arg3[%while3A_73, %dma_wait3A_81] : memref<832x100000xf32, #tpu.memory_space<hbm>> -> memref<1x100000xf32, #tpu.memory_space<hbm>>
        %dma_wait3A_83 = tpu.memref_squeeze %dma_wait3A_82 : memref<1x100000xf32, #tpu.memory_space<hbm>> -> memref<100000xf32, #tpu.memory_space<hbm>>
        tpu.wait_dma2 semaphore(%arg8 : memref<!tpu.dma_semaphore, #tpu.memory_space<semaphore_mem>>) src(%dma_wait3A_83 : memref<100000xf32, #tpu.memory_space<hbm>>) dst(%arg5 : memref<100000xf32, #tpu.memory_space<vmem>>)
        %parallel_loop3A = arith.constant 0 : i32
        %parallel_loop3A_84 = arith.constant 4096 : i32
        %parallel_loop3A_85 = arith.constant 16 : i32
        scf.for %parallel_loop3A_199 = %parallel_loop3A to %parallel_loop3A_84 step %parallel_loop3A_85  : i32 {
          %parallel_loop3A_200 = arith.constant 0 : i32
          %parallel_loop3A_201 = arith.addi %parallel_loop3A_200, %parallel_loop3A_199 : i32
          %parallel_loop3A_202 = arith.index_cast %parallel_loop3A_201 : i32 to index
          %parallel_loop3A_203 = tpu.vector_load %arg6[%parallel_loop3A_202] {strides = array<i32>} : memref<16384xi32, #tpu.memory_space<vmem>>, vector<16xi32>,
          %parallel_loop3A_204 = tpu.vector_load_idx %arg5[%parallel_loop3A_203] : memref<100000xf32, #tpu.memory_space<vmem>>[vector<16xi32>], vector<16xf32>,
          %parallel_loop3A_205 = arith.constant 0 : i32
          %parallel_loop3A_206 = arith.index_cast %parallel_loop3A_205 : i32 to index
          %parallel_loop3A_207 = arith.index_cast %parallel_loop3A_199 : i32 to index
          %parallel_loop3A_208 = tpu.vector_load %arg7[%parallel_loop3A_206, %parallel_loop3A_207] {strides = array<i32>} : memref<2x4096xf32, #tpu.memory_space<vmem>>, vector<16xf32>,
          tpu.vector_store %arg7[%parallel_loop3A_206, %parallel_loop3A_207], %parallel_loop3A_204 {strides = array<i32>} : memref<2x4096xf32, #tpu.memory_space<vmem>>, vector<16xf32>,
        } {sc.loop_unroll_factor = 8 : i64, sc.parallel_access}
        %dma_start3A_86 = arith.constant 0 : i32
        %dma_start3A_87 = arith.constant 0 : i32
        %dma_start3A_88 = tpu.memref_slice %arg7[%dma_start3A_86, %dma_start3A_87] : memref<2x4096xf32, #tpu.memory_space<vmem>> -> memref<1x4096xf32, #tpu.memory_space<vmem>>
        %dma_start3A_89 = tpu.memref_squeeze %dma_start3A_88 : memref<1x4096xf32, #tpu.memory_space<vmem>> -> memref<4096xf32, #tpu.memory_space<vmem>>
        %dma_start3A_90 = arith.constant 0 : i32
        %dma_start3A_91 = tpu.memref_slice %arg4[%while3A_73, %dma_start3A_90] : memref<832x16384xf32, #tpu.memory_space<hbm>> -> memref<1x4096xf32, #tpu.memory_space<hbm>>
        %dma_start3A_92 = tpu.memref_squeeze %dma_start3A_91 : memref<1x4096xf32, #tpu.memory_space<hbm>> -> memref<4096xf32, #tpu.memory_space<hbm>>
        %dma_start3A_93 = arith.constant 0 : i32
        %dma_start3A_94 = tpu.memref_slice %arg4[%while3A_73, %dma_start3A_93] : memref<832x16384xf32, #tpu.memory_space<hbm>> -> memref<1x4096xf32, #tpu.memory_space<hbm>>
        %dma_start3A_95 = tpu.memref_squeeze %dma_start3A_94 : memref<1x4096xf32, #tpu.memory_space<hbm>> -> memref<4096xf32, #tpu.memory_space<hbm>>
        %dma_start3A_96 = arith.constant 0 : i32
        %dma_start3A_97 = tpu.memref_slice %arg7[%dma_start3A_86, %dma_start3A_96] : memref<2x4096xf32, #tpu.memory_space<vmem>> -> memref<1x4096xf32, #tpu.memory_space<vmem>>
        %dma_start3A_98 = tpu.memref_squeeze %dma_start3A_97 : memref<1x4096xf32, #tpu.memory_space<vmem>> -> memref<4096xf32, #tpu.memory_space<vmem>>
        tpu.enqueue_dma source(%dma_start3A_98 : memref<4096xf32, #tpu.memory_space<vmem>>) target(%dma_start3A_95 : memref<4096xf32, #tpu.memory_space<hbm>>) target_semaphore(%arg9 : memref<!tpu.dma_semaphore, #tpu.memory_space<semaphore_mem>>)
        %parallel_loop3A_99 = arith.constant 0 : i32
        %parallel_loop3A_100 = arith.constant 4096 : i32
        %parallel_loop3A_101 = arith.constant 16 : i32
        scf.for %parallel_loop3A_199 = %parallel_loop3A_99 to %parallel_loop3A_100 step %parallel_loop3A_101  : i32 {
          %parallel_loop3A_200 = arith.constant 4096 : i32
          %parallel_loop3A_201 = arith.addi %parallel_loop3A_200, %parallel_loop3A_199 : i32
          %parallel_loop3A_202 = arith.index_cast %parallel_loop3A_201 : i32 to index
          %parallel_loop3A_203 = tpu.vector_load %arg6[%parallel_loop3A_202] {strides = array<i32>} : memref<16384xi32, #tpu.memory_space<vmem>>, vector<16xi32>,
          %parallel_loop3A_204 = tpu.vector_load_idx %arg5[%parallel_loop3A_203] : memref<100000xf32, #tpu.memory_space<vmem>>[vector<16xi32>], vector<16xf32>,
          %parallel_loop3A_205 = arith.constant 1 : i32
          %parallel_loop3A_206 = arith.index_cast %parallel_loop3A_205 : i32 to index
          %parallel_loop3A_207 = arith.index_cast %parallel_loop3A_199 : i32 to index
          %parallel_loop3A_208 = tpu.vector_load %arg7[%parallel_loop3A_206, %parallel_loop3A_207] {strides = array<i32>} : memref<2x4096xf32, #tpu.memory_space<vmem>>, vector<16xf32>,
          tpu.vector_store %arg7[%parallel_loop3A_206, %parallel_loop3A_207], %parallel_loop3A_204 {strides = array<i32>} : memref<2x4096xf32, #tpu.memory_space<vmem>>, vector<16xf32>,
        } {sc.loop_unroll_factor = 8 : i64, sc.parallel_access}
        %dma_start3A_102 = arith.constant 1 : i32
        %dma_start3A_103 = arith.constant 0 : i32
        %dma_start3A_104 = tpu.memref_slice %arg7[%dma_start3A_102, %dma_start3A_103] : memref<2x4096xf32, #tpu.memory_space<vmem>> -> memref<1x4096xf32, #tpu.memory_space<vmem>>
        %dma_start3A_105 = tpu.memref_squeeze %dma_start3A_104 : memref<1x4096xf32, #tpu.memory_space<vmem>> -> memref<4096xf32, #tpu.memory_space<vmem>>
        %dma_start3A_106 = arith.constant 4096 : i32
        %dma_start3A_107 = tpu.memref_slice %arg4[%while3A_73, %dma_start3A_106] : memref<832x16384xf32, #tpu.memory_space<hbm>> -> memref<1x4096xf32, #tpu.memory_space<hbm>>
        %dma_start3A_108 = tpu.memref_squeeze %dma_start3A_107 : memref<1x4096xf32, #tpu.memory_space<hbm>> -> memref<4096xf32, #tpu.memory_space<hbm>>
        %dma_start3A_109 = arith.constant 4096 : i32
        %dma_start3A_110 = tpu.memref_slice %arg4[%while3A_73, %dma_start3A_109] : memref<832x16384xf32, #tpu.memory_space<hbm>> -> memref<1x4096xf32, #tpu.memory_space<hbm>>
        %dma_start3A_111 = tpu.memref_squeeze %dma_start3A_110 : memref<1x4096xf32, #tpu.memory_space<hbm>> -> memref<4096xf32, #tpu.memory_space<hbm>>
        %dma_start3A_112 = arith.constant 0 : i32
        %dma_start3A_113 = tpu.memref_slice %arg7[%dma_start3A_102, %dma_start3A_112] : memref<2x4096xf32, #tpu.memory_space<vmem>> -> memref<1x4096xf32, #tpu.memory_space<vmem>>
        %dma_start3A_114 = tpu.memref_squeeze %dma_start3A_113 : memref<1x4096xf32, #tpu.memory_space<vmem>> -> memref<4096xf32, #tpu.memory_space<vmem>>
        tpu.enqueue_dma source(%dma_start3A_114 : memref<4096xf32, #tpu.memory_space<vmem>>) target(%dma_start3A_111 : memref<4096xf32, #tpu.memory_space<hbm>>) target_semaphore(%arg10 : memref<!tpu.dma_semaphore, #tpu.memory_space<semaphore_mem>>)
        %dma_wait3A_115 = arith.constant 0 : i32
        %dma_wait3A_116 = arith.constant 0 : i32
        %dma_wait3A_117 = tpu.memref_slice %arg7[%dma_wait3A_115, %dma_wait3A_116] : memref<2x4096xf32, #tpu.memory_space<vmem>> -> memref<1x4096xf32, #tpu.memory_space<vmem>>
        %dma_wait3A_118 = tpu.memref_squeeze %dma_wait3A_117 : memref<1x4096xf32, #tpu.memory_space<vmem>> -> memref<4096xf32, #tpu.memory_space<vmem>>
        %dma_wait3A_119 = arith.constant 0 : i32
        %dma_wait3A_120 = tpu.memref_slice %arg4[%while3A_73, %dma_wait3A_119] : memref<832x16384xf32, #tpu.memory_space<hbm>> -> memref<1x4096xf32, #tpu.memory_space<hbm>>
        %dma_wait3A_121 = tpu.memref_squeeze %dma_wait3A_120 : memref<1x4096xf32, #tpu.memory_space<hbm>> -> memref<4096xf32, #tpu.memory_space<hbm>>
        %dma_wait3A_122 = arith.constant 0 : i32
        %dma_wait3A_123 = tpu.memref_slice %arg4[%while3A_73, %dma_wait3A_122] : memref<832x16384xf32, #tpu.memory_space<hbm>> -> memref<1x4096xf32, #tpu.memory_space<hbm>>
        %dma_wait3A_124 = tpu.memref_squeeze %dma_wait3A_123 : memref<1x4096xf32, #tpu.memory_space<hbm>> -> memref<4096xf32, #tpu.memory_space<hbm>>
        %dma_wait3A_125 = arith.constant 0 : i32
        %dma_wait3A_126 = tpu.memref_slice %arg7[%dma_wait3A_115, %dma_wait3A_125] : memref<2x4096xf32, #tpu.memory_space<vmem>> -> memref<1x4096xf32, #tpu.memory_space<vmem>>
        %dma_wait3A_127 = tpu.memref_squeeze %dma_wait3A_126 : memref<1x4096xf32, #tpu.memory_space<vmem>> -> memref<4096xf32, #tpu.memory_space<vmem>>
        tpu.wait_dma2 semaphore(%arg9 : memref<!tpu.dma_semaphore, #tpu.memory_space<semaphore_mem>>) src(%dma_wait3A_127 : memref<4096xf32, #tpu.memory_space<vmem>>) dst(%dma_wait3A_124 : memref<4096xf32, #tpu.memory_space<hbm>>)
        %parallel_loop3A_128 = arith.constant 0 : i32
        %parallel_loop3A_129 = arith.constant 4096 : i32
        %parallel_loop3A_130 = arith.constant 16 : i32
        scf.for %parallel_loop3A_199 = %parallel_loop3A_128 to %parallel_loop3A_129 step %parallel_loop3A_130  : i32 {
          %parallel_loop3A_200 = arith.constant 8192 : i32
          %parallel_loop3A_201 = arith.addi %parallel_loop3A_200, %parallel_loop3A_199 : i32
          %parallel_loop3A_202 = arith.index_cast %parallel_loop3A_201 : i32 to index
          %parallel_loop3A_203 = tpu.vector_load %arg6[%parallel_loop3A_202] {strides = array<i32>} : memref<16384xi32, #tpu.memory_space<vmem>>, vector<16xi32>,
          %parallel_loop3A_204 = tpu.vector_load_idx %arg5[%parallel_loop3A_203] : memref<100000xf32, #tpu.memory_space<vmem>>[vector<16xi32>], vector<16xf32>,
          %parallel_loop3A_205 = arith.constant 0 : i32
          %parallel_loop3A_206 = arith.index_cast %parallel_loop3A_205 : i32 to index
          %parallel_loop3A_207 = arith.index_cast %parallel_loop3A_199 : i32 to index
          %parallel_loop3A_208 = tpu.vector_load %arg7[%parallel_loop3A_206, %parallel_loop3A_207] {strides = array<i32>} : memref<2x4096xf32, #tpu.memory_space<vmem>>, vector<16xf32>,
          tpu.vector_store %arg7[%parallel_loop3A_206, %parallel_loop3A_207], %parallel_loop3A_204 {strides = array<i32>} : memref<2x4096xf32, #tpu.memory_space<vmem>>, vector<16xf32>,
        } {sc.loop_unroll_factor = 8 : i64, sc.parallel_access}
        %dma_start3A_131 = arith.constant 0 : i32
        %dma_start3A_132 = arith.constant 0 : i32
        %dma_start3A_133 = tpu.memref_slice %arg7[%dma_start3A_131, %dma_start3A_132] : memref<2x4096xf32, #tpu.memory_space<vmem>> -> memref<1x4096xf32, #tpu.memory_space<vmem>>
        %dma_start3A_134 = tpu.memref_squeeze %dma_start3A_133 : memref<1x4096xf32, #tpu.memory_space<vmem>> -> memref<4096xf32, #tpu.memory_space<vmem>>
        %dma_start3A_135 = arith.constant 8192 : i32
        %dma_start3A_136 = tpu.memref_slice %arg4[%while3A_73, %dma_start3A_135] : memref<832x16384xf32, #tpu.memory_space<hbm>> -> memref<1x4096xf32, #tpu.memory_space<hbm>>
        %dma_start3A_137 = tpu.memref_squeeze %dma_start3A_136 : memref<1x4096xf32, #tpu.memory_space<hbm>> -> memref<4096xf32, #tpu.memory_space<hbm>>
        %dma_start3A_138 = arith.constant 8192 : i32
        %dma_start3A_139 = tpu.memref_slice %arg4[%while3A_73, %dma_start3A_138] : memref<832x16384xf32, #tpu.memory_space<hbm>> -> memref<1x4096xf32, #tpu.memory_space<hbm>>
        %dma_start3A_140 = tpu.memref_squeeze %dma_start3A_139 : memref<1x4096xf32, #tpu.memory_space<hbm>> -> memref<4096xf32, #tpu.memory_space<hbm>>
        %dma_start3A_141 = arith.constant 0 : i32
        %dma_start3A_142 = tpu.memref_slice %arg7[%dma_start3A_131, %dma_start3A_141] : memref<2x4096xf32, #tpu.memory_space<vmem>> -> memref<1x4096xf32, #tpu.memory_space<vmem>>
        %dma_start3A_143 = tpu.memref_squeeze %dma_start3A_142 : memref<1x4096xf32, #tpu.memory_space<vmem>> -> memref<4096xf32, #tpu.memory_space<vmem>>
        tpu.enqueue_dma source(%dma_start3A_143 : memref<4096xf32, #tpu.memory_space<vmem>>) target(%dma_start3A_140 : memref<4096xf32, #tpu.memory_space<hbm>>) target_semaphore(%arg9 : memref<!tpu.dma_semaphore, #tpu.memory_space<semaphore_mem>>)
        %dma_wait3A_144 = arith.constant 1 : i32
        %dma_wait3A_145 = arith.constant 0 : i32
        %dma_wait3A_146 = tpu.memref_slice %arg7[%dma_wait3A_144, %dma_wait3A_145] : memref<2x4096xf32, #tpu.memory_space<vmem>> -> memref<1x4096xf32, #tpu.memory_space<vmem>>
        %dma_wait3A_147 = tpu.memref_squeeze %dma_wait3A_146 : memref<1x4096xf32, #tpu.memory_space<vmem>> -> memref<4096xf32, #tpu.memory_space<vmem>>
        %dma_wait3A_148 = arith.constant 4096 : i32
        %dma_wait3A_149 = tpu.memref_slice %arg4[%while3A_73, %dma_wait3A_148] : memref<832x16384xf32, #tpu.memory_space<hbm>> -> memref<1x4096xf32, #tpu.memory_space<hbm>>
        %dma_wait3A_150 = tpu.memref_squeeze %dma_wait3A_149 : memref<1x4096xf32, #tpu.memory_space<hbm>> -> memref<4096xf32, #tpu.memory_space<hbm>>
        %dma_wait3A_151 = arith.constant 4096 : i32
        %dma_wait3A_152 = tpu.memref_slice %arg4[%while3A_73, %dma_wait3A_151] : memref<832x16384xf32, #tpu.memory_space<hbm>> -> memref<1x4096xf32, #tpu.memory_space<hbm>>
        %dma_wait3A_153 = tpu.memref_squeeze %dma_wait3A_152 : memref<1x4096xf32, #tpu.memory_space<hbm>> -> memref<4096xf32, #tpu.memory_space<hbm>>
        %dma_wait3A_154 = arith.constant 0 : i32
        %dma_wait3A_155 = tpu.memref_slice %arg7[%dma_wait3A_144, %dma_wait3A_154] : memref<2x4096xf32, #tpu.memory_space<vmem>> -> memref<1x4096xf32, #tpu.memory_space<vmem>>
        %dma_wait3A_156 = tpu.memref_squeeze %dma_wait3A_155 : memref<1x4096xf32, #tpu.memory_space<vmem>> -> memref<4096xf32, #tpu.memory_space<vmem>>
        tpu.wait_dma2 semaphore(%arg10 : memref<!tpu.dma_semaphore, #tpu.memory_space<semaphore_mem>>) src(%dma_wait3A_156 : memref<4096xf32, #tpu.memory_space<vmem>>) dst(%dma_wait3A_153 : memref<4096xf32, #tpu.memory_space<hbm>>)
        %parallel_loop3A_157 = arith.constant 0 : i32
        %parallel_loop3A_158 = arith.constant 4096 : i32
        %parallel_loop3A_159 = arith.constant 16 : i32
        scf.for %parallel_loop3A_199 = %parallel_loop3A_157 to %parallel_loop3A_158 step %parallel_loop3A_159  : i32 {
          %parallel_loop3A_200 = arith.constant 12288 : i32
          %parallel_loop3A_201 = arith.addi %parallel_loop3A_200, %parallel_loop3A_199 : i32
          %parallel_loop3A_202 = arith.index_cast %parallel_loop3A_201 : i32 to index
          %parallel_loop3A_203 = tpu.vector_load %arg6[%parallel_loop3A_202] {strides = array<i32>} : memref<16384xi32, #tpu.memory_space<vmem>>, vector<16xi32>,
          %parallel_loop3A_204 = tpu.vector_load_idx %arg5[%parallel_loop3A_203] : memref<100000xf32, #tpu.memory_space<vmem>>[vector<16xi32>], vector<16xf32>,
          %parallel_loop3A_205 = arith.constant 1 : i32
          %parallel_loop3A_206 = arith.index_cast %parallel_loop3A_205 : i32 to index
          %parallel_loop3A_207 = arith.index_cast %parallel_loop3A_199 : i32 to index
          %parallel_loop3A_208 = tpu.vector_load %arg7[%parallel_loop3A_206, %parallel_loop3A_207] {strides = array<i32>} : memref<2x4096xf32, #tpu.memory_space<vmem>>, vector<16xf32>,
          tpu.vector_store %arg7[%parallel_loop3A_206, %parallel_loop3A_207], %parallel_loop3A_204 {strides = array<i32>} : memref<2x4096xf32, #tpu.memory_space<vmem>>, vector<16xf32>,
        } {sc.loop_unroll_factor = 8 : i64, sc.parallel_access}
        %dma_start3A_160 = arith.constant 1 : i32
        %dma_start3A_161 = arith.constant 0 : i32
        %dma_start3A_162 = tpu.memref_slice %arg7[%dma_start3A_160, %dma_start3A_161] : memref<2x4096xf32, #tpu.memory_space<vmem>> -> memref<1x4096xf32, #tpu.memory_space<vmem>>
        %dma_start3A_163 = tpu.memref_squeeze %dma_start3A_162 : memref<1x4096xf32, #tpu.memory_space<vmem>> -> memref<4096xf32, #tpu.memory_space<vmem>>
        %dma_start3A_164 = arith.constant 12288 : i32
        %dma_start3A_165 = tpu.memref_slice %arg4[%while3A_73, %dma_start3A_164] : memref<832x16384xf32, #tpu.memory_space<hbm>> -> memref<1x4096xf32, #tpu.memory_space<hbm>>
        %dma_start3A_166 = tpu.memref_squeeze %dma_start3A_165 : memref<1x4096xf32, #tpu.memory_space<hbm>> -> memref<4096xf32, #tpu.memory_space<hbm>>
        %dma_start3A_167 = arith.constant 12288 : i32
        %dma_start3A_168 = tpu.memref_slice %arg4[%while3A_73, %dma_start3A_167] : memref<832x16384xf32, #tpu.memory_space<hbm>> -> memref<1x4096xf32, #tpu.memory_space<hbm>>
        %dma_start3A_169 = tpu.memref_squeeze %dma_start3A_168 : memref<1x4096xf32, #tpu.memory_space<hbm>> -> memref<4096xf32, #tpu.memory_space<hbm>>
        %dma_start3A_170 = arith.constant 0 : i32
        %dma_start3A_171 = tpu.memref_slice %arg7[%dma_start3A_160, %dma_start3A_170] : memref<2x4096xf32, #tpu.memory_space<vmem>> -> memref<1x4096xf32, #tpu.memory_space<vmem>>
        %dma_start3A_172 = tpu.memref_squeeze %dma_start3A_171 : memref<1x4096xf32, #tpu.memory_space<vmem>> -> memref<4096xf32, #tpu.memory_space<vmem>>
        tpu.enqueue_dma source(%dma_start3A_172 : memref<4096xf32, #tpu.memory_space<vmem>>) target(%dma_start3A_169 : memref<4096xf32, #tpu.memory_space<hbm>>) target_semaphore(%arg10 : memref<!tpu.dma_semaphore, #tpu.memory_space<semaphore_mem>>)
        %dma_wait3A_173 = arith.constant 0 : i32
        %dma_wait3A_174 = arith.constant 0 : i32
        %dma_wait3A_175 = tpu.memref_slice %arg7[%dma_wait3A_173, %dma_wait3A_174] : memref<2x4096xf32, #tpu.memory_space<vmem>> -> memref<1x4096xf32, #tpu.memory_space<vmem>>
        %dma_wait3A_176 = tpu.memref_squeeze %dma_wait3A_175 : memref<1x4096xf32, #tpu.memory_space<vmem>> -> memref<4096xf32, #tpu.memory_space<vmem>>
        %dma_wait3A_177 = arith.constant 8192 : i32
        %dma_wait3A_178 = tpu.memref_slice %arg4[%while3A_73, %dma_wait3A_177] : memref<832x16384xf32, #tpu.memory_space<hbm>> -> memref<1x4096xf32, #tpu.memory_space<hbm>>
        %dma_wait3A_179 = tpu.memref_squeeze %dma_wait3A_178 : memref<1x4096xf32, #tpu.memory_space<hbm>> -> memref<4096xf32, #tpu.memory_space<hbm>>
        %dma_wait3A_180 = arith.constant 8192 : i32
        %dma_wait3A_181 = tpu.memref_slice %arg4[%while3A_73, %dma_wait3A_180] : memref<832x16384xf32, #tpu.memory_space<hbm>> -> memref<1x4096xf32, #tpu.memory_space<hbm>>
        %dma_wait3A_182 = tpu.memref_squeeze %dma_wait3A_181 : memref<1x4096xf32, #tpu.memory_space<hbm>> -> memref<4096xf32, #tpu.memory_space<hbm>>
        %dma_wait3A_183 = arith.constant 0 : i32
        %dma_wait3A_184 = tpu.memref_slice %arg7[%dma_wait3A_173, %dma_wait3A_183] : memref<2x4096xf32, #tpu.memory_space<vmem>> -> memref<1x4096xf32, #tpu.memory_space<vmem>>
        %dma_wait3A_185 = tpu.memref_squeeze %dma_wait3A_184 : memref<1x4096xf32, #tpu.memory_space<vmem>> -> memref<4096xf32, #tpu.memory_space<vmem>>
        tpu.wait_dma2 semaphore(%arg9 : memref<!tpu.dma_semaphore, #tpu.memory_space<semaphore_mem>>) src(%dma_wait3A_185 : memref<4096xf32, #tpu.memory_space<vmem>>) dst(%dma_wait3A_182 : memref<4096xf32, #tpu.memory_space<hbm>>)
        %dma_wait3A_186 = arith.constant 1 : i32
        %dma_wait3A_187 = arith.constant 0 : i32
        %dma_wait3A_188 = tpu.memref_slice %arg7[%dma_wait3A_186, %dma_wait3A_187] : memref<2x4096xf32, #tpu.memory_space<vmem>> -> memref<1x4096xf32, #tpu.memory_space<vmem>>
        %dma_wait3A_189 = tpu.memref_squeeze %dma_wait3A_188 : memref<1x4096xf32, #tpu.memory_space<vmem>> -> memref<4096xf32, #tpu.memory_space<vmem>>
        %dma_wait3A_190 = arith.constant 12288 : i32
        %dma_wait3A_191 = tpu.memref_slice %arg4[%while3A_73, %dma_wait3A_190] : memref<832x16384xf32, #tpu.memory_space<hbm>> -> memref<1x4096xf32, #tpu.memory_space<hbm>>
        %dma_wait3A_192 = tpu.memref_squeeze %dma_wait3A_191 : memref<1x4096xf32, #tpu.memory_space<hbm>> -> memref<4096xf32, #tpu.memory_space<hbm>>
        %dma_wait3A_193 = arith.constant 12288 : i32
        %dma_wait3A_194 = tpu.memref_slice %arg4[%while3A_73, %dma_wait3A_193] : memref<832x16384xf32, #tpu.memory_space<hbm>> -> memref<1x4096xf32, #tpu.memory_space<hbm>>
        %dma_wait3A_195 = tpu.memref_squeeze %dma_wait3A_194 : memref<1x4096xf32, #tpu.memory_space<hbm>> -> memref<4096xf32, #tpu.memory_space<hbm>>
        %dma_wait3A_196 = arith.constant 0 : i32
        %dma_wait3A_197 = tpu.memref_slice %arg7[%dma_wait3A_186, %dma_wait3A_196] : memref<2x4096xf32, #tpu.memory_space<vmem>> -> memref<1x4096xf32, #tpu.memory_space<vmem>>
        %dma_wait3A_198 = tpu.memref_squeeze %dma_wait3A_197 : memref<1x4096xf32, #tpu.memory_space<vmem>> -> memref<4096xf32, #tpu.memory_space<vmem>>
        tpu.wait_dma2 semaphore(%arg10 : memref<!tpu.dma_semaphore, #tpu.memory_space<semaphore_mem>>) src(%dma_wait3A_198 : memref<4096xf32, #tpu.memory_space<vmem>>) dst(%dma_wait3A_195 : memref<4096xf32, #tpu.memory_space<hbm>>)
      }
      %while3A_72 = arith.constant 1 : i32
      scf.for %while3A_73 = %while3A_70 to %while3A_66 step %while3A_72  : i32 {
        %dma_start3A = arith.constant 0 : i32
        %dma_start3A_74 = tpu.memref_slice %arg3[%while3A_73, %dma_start3A] : memref<832x100000xf32, #tpu.memory_space<hbm>> -> memref<1x100000xf32, #tpu.memory_space<hbm>>
        %dma_start3A_75 = tpu.memref_squeeze %dma_start3A_74 : memref<1x100000xf32, #tpu.memory_space<hbm>> -> memref<100000xf32, #tpu.memory_space<hbm>>
        %dma_start3A_76 = arith.constant 0 : i32
        %dma_start3A_77 = tpu.memref_slice %arg3[%while3A_73, %dma_start3A_76] : memref<832x100000xf32, #tpu.memory_space<hbm>> -> memref<1x100000xf32, #tpu.memory_space<hbm>>
        %dma_start3A_78 = tpu.memref_squeeze %dma_start3A_77 : memref<1x100000xf32, #tpu.memory_space<hbm>> -> memref<100000xf32, #tpu.memory_space<hbm>>
        tpu.enqueue_dma source(%dma_start3A_78 : memref<100000xf32, #tpu.memory_space<hbm>>) target(%arg5 : memref<100000xf32, #tpu.memory_space<vmem>>) target_semaphore(%arg8 : memref<!tpu.dma_semaphore, #tpu.memory_space<semaphore_mem>>)
        %dma_wait3A = arith.constant 0 : i32
        %dma_wait3A_79 = tpu.memref_slice %arg3[%while3A_73, %dma_wait3A] : memref<832x100000xf32, #tpu.memory_space<hbm>> -> memref<1x100000xf32, #tpu.memory_space<hbm>>
        %dma_wait3A_80 = tpu.memref_squeeze %dma_wait3A_79 : memref<1x100000xf32, #tpu.memory_space<hbm>> -> memref<100000xf32, #tpu.memory_space<hbm>>
        %dma_wait3A_81 = arith.constant 0 : i32
        %dma_wait3A_82 = tpu.memref_slice %arg3[%while3A_73, %dma_wait3A_81] : memref<832x100000xf32, #tpu.memory_space<hbm>> -> memref<1x100000xf32, #tpu.memory_space<hbm>>
        %dma_wait3A_83 = tpu.memref_squeeze %dma_wait3A_82 : memref<1x100000xf32, #tpu.memory_space<hbm>> -> memref<100000xf32, #tpu.memory_space<hbm>>
        tpu.wait_dma2 semaphore(%arg8 : memref<!tpu.dma_semaphore, #tpu.memory_space<semaphore_mem>>) src(%dma_wait3A_83 : memref<100000xf32, #tpu.memory_space<hbm>>) dst(%arg5 : memref<100000xf32, #tpu.memory_space<vmem>>)
        %parallel_loop3A = arith.constant 0 : i32
        %parallel_loop3A_84 = arith.constant 4096 : i32
        %parallel_loop3A_85 = arith.constant 16 : i32
        scf.for %parallel_loop3A_199 = %parallel_loop3A to %parallel_loop3A_84 step %parallel_loop3A_85  : i32 {
          %parallel_loop3A_200 = arith.constant 0 : i32
          %parallel_loop3A_201 = arith.addi %parallel_loop3A_200, %parallel_loop3A_199 : i32
          %parallel_loop3A_202 = arith.index_cast %parallel_loop3A_201 : i32 to index
          %parallel_loop3A_203 = tpu.vector_load %arg6[%parallel_loop3A_202] {strides = array<i32>} : memref<16384xi32, #tpu.memory_space<vmem>>, vector<16xi32>,
          %parallel_loop3A_204 = tpu.vector_load_idx %arg5[%parallel_loop3A_203] : memref<100000xf32, #tpu.memory_space<vmem>>[vector<16xi32>], vector<16xf32>,
          %parallel_loop3A_205 = arith.constant 0 : i32
          %parallel_loop3A_206 = arith.index_cast %parallel_loop3A_205 : i32 to index
          %parallel_loop3A_207 = arith.index_cast %parallel_loop3A_199 : i32 to index
          %parallel_loop3A_208 = tpu.vector_load %arg7[%parallel_loop3A_206, %parallel_loop3A_207] {strides = array<i32>} : memref<2x4096xf32, #tpu.memory_space<vmem>>, vector<16xf32>,
          tpu.vector_store %arg7[%parallel_loop3A_206, %parallel_loop3A_207], %parallel_loop3A_204 {strides = array<i32>} : memref<2x4096xf32, #tpu.memory_space<vmem>>, vector<16xf32>,
        } {sc.loop_unroll_factor = 8 : i64, sc.parallel_access}
        %dma_start3A_86 = arith.constant 0 : i32
        %dma_start3A_87 = arith.constant 0 : i32
        %dma_start3A_88 = tpu.memref_slice %arg7[%dma_start3A_86, %dma_start3A_87] : memref<2x4096xf32, #tpu.memory_space<vmem>> -> memref<1x4096xf32, #tpu.memory_space<vmem>>
        %dma_start3A_89 = tpu.memref_squeeze %dma_start3A_88 : memref<1x4096xf32, #tpu.memory_space<vmem>> -> memref<4096xf32, #tpu.memory_space<vmem>>
        %dma_start3A_90 = arith.constant 0 : i32
        %dma_start3A_91 = tpu.memref_slice %arg4[%while3A_73, %dma_start3A_90] : memref<832x16384xf32, #tpu.memory_space<hbm>> -> memref<1x4096xf32, #tpu.memory_space<hbm>>
        %dma_start3A_92 = tpu.memref_squeeze %dma_start3A_91 : memref<1x4096xf32, #tpu.memory_space<hbm>> -> memref<4096xf32, #tpu.memory_space<hbm>>
        %dma_start3A_93 = arith.constant 0 : i32
        %dma_start3A_94 = tpu.memref_slice %arg4[%while3A_73, %dma_start3A_93] : memref<832x16384xf32, #tpu.memory_space<hbm>> -> memref<1x4096xf32, #tpu.memory_space<hbm>>
        %dma_start3A_95 = tpu.memref_squeeze %dma_start3A_94 : memref<1x4096xf32, #tpu.memory_space<hbm>> -> memref<4096xf32, #tpu.memory_space<hbm>>
        %dma_start3A_96 = arith.constant 0 : i32
        %dma_start3A_97 = tpu.memref_slice %arg7[%dma_start3A_86, %dma_start3A_96] : memref<2x4096xf32, #tpu.memory_space<vmem>> -> memref<1x4096xf32, #tpu.memory_space<vmem>>
        %dma_start3A_98 = tpu.memref_squeeze %dma_start3A_97 : memref<1x4096xf32, #tpu.memory_space<vmem>> -> memref<4096xf32, #tpu.memory_space<vmem>>
        tpu.enqueue_dma source(%dma_start3A_98 : memref<4096xf32, #tpu.memory_space<vmem>>) target(%dma_start3A_95 : memref<4096xf32, #tpu.memory_space<hbm>>) target_semaphore(%arg9 : memref<!tpu.dma_semaphore, #tpu.memory_space<semaphore_mem>>)
        %parallel_loop3A_99 = arith.constant 0 : i32
        %parallel_loop3A_100 = arith.constant 4096 : i32
        %parallel_loop3A_101 = arith.constant 16 : i32
        scf.for %parallel_loop3A_199 = %parallel_loop3A_99 to %parallel_loop3A_100 step %parallel_loop3A_101  : i32 {
          %parallel_loop3A_200 = arith.constant 4096 : i32
          %parallel_loop3A_201 = arith.addi %parallel_loop3A_200, %parallel_loop3A_199 : i32
          %parallel_loop3A_202 = arith.index_cast %parallel_loop3A_201 : i32 to index
          %parallel_loop3A_203 = tpu.vector_load %arg6[%parallel_loop3A_202] {strides = array<i32>} : memref<16384xi32, #tpu.memory_space<vmem>>, vector<16xi32>,
          %parallel_loop3A_204 = tpu.vector_load_idx %arg5[%parallel_loop3A_203] : memref<100000xf32, #tpu.memory_space<vmem>>[vector<16xi32>], vector<16xf32>,
          %parallel_loop3A_205 = arith.constant 1 : i32
          %parallel_loop3A_206 = arith.index_cast %parallel_loop3A_205 : i32 to index
          %parallel_loop3A_207 = arith.index_cast %parallel_loop3A_199 : i32 to index
          %parallel_loop3A_208 = tpu.vector_load %arg7[%parallel_loop3A_206, %parallel_loop3A_207] {strides = array<i32>} : memref<2x4096xf32, #tpu.memory_space<vmem>>, vector<16xf32>,
          tpu.vector_store %arg7[%parallel_loop3A_206, %parallel_loop3A_207], %parallel_loop3A_204 {strides = array<i32>} : memref<2x4096xf32, #tpu.memory_space<vmem>>, vector<16xf32>,
        } {sc.loop_unroll_factor = 8 : i64, sc.parallel_access}
        %dma_start3A_102 = arith.constant 1 : i32
        %dma_start3A_103 = arith.constant 0 : i32
        %dma_start3A_104 = tpu.memref_slice %arg7[%dma_start3A_102, %dma_start3A_103] : memref<2x4096xf32, #tpu.memory_space<vmem>> -> memref<1x4096xf32, #tpu.memory_space<vmem>>
        %dma_start3A_105 = tpu.memref_squeeze %dma_start3A_104 : memref<1x4096xf32, #tpu.memory_space<vmem>> -> memref<4096xf32, #tpu.memory_space<vmem>>
        %dma_start3A_106 = arith.constant 4096 : i32
        %dma_start3A_107 = tpu.memref_slice %arg4[%while3A_73, %dma_start3A_106] : memref<832x16384xf32, #tpu.memory_space<hbm>> -> memref<1x4096xf32, #tpu.memory_space<hbm>>
        %dma_start3A_108 = tpu.memref_squeeze %dma_start3A_107 : memref<1x4096xf32, #tpu.memory_space<hbm>> -> memref<4096xf32, #tpu.memory_space<hbm>>
        %dma_start3A_109 = arith.constant 4096 : i32
        %dma_start3A_110 = tpu.memref_slice %arg4[%while3A_73, %dma_start3A_109] : memref<832x16384xf32, #tpu.memory_space<hbm>> -> memref<1x4096xf32, #tpu.memory_space<hbm>>
        %dma_start3A_111 = tpu.memref_squeeze %dma_start3A_110 : memref<1x4096xf32, #tpu.memory_space<hbm>> -> memref<4096xf32, #tpu.memory_space<hbm>>
        %dma_start3A_112 = arith.constant 0 : i32
        %dma_start3A_113 = tpu.memref_slice %arg7[%dma_start3A_102, %dma_start3A_112] : memref<2x4096xf32, #tpu.memory_space<vmem>> -> memref<1x4096xf32, #tpu.memory_space<vmem>>
        %dma_start3A_114 = tpu.memref_squeeze %dma_start3A_113 : memref<1x4096xf32, #tpu.memory_space<vmem>> -> memref<4096xf32, #tpu.memory_space<vmem>>
        tpu.enqueue_dma source(%dma_start3A_114 : memref<4096xf32, #tpu.memory_space<vmem>>) target(%dma_start3A_111 : memref<4096xf32, #tpu.memory_space<hbm>>) target_semaphore(%arg10 : memref<!tpu.dma_semaphore, #tpu.memory_space<semaphore_mem>>)
        %dma_wait3A_115 = arith.constant 0 : i32
        %dma_wait3A_116 = arith.constant 0 : i32
        %dma_wait3A_117 = tpu.memref_slice %arg7[%dma_wait3A_115, %dma_wait3A_116] : memref<2x4096xf32, #tpu.memory_space<vmem>> -> memref<1x4096xf32, #tpu.memory_space<vmem>>
        %dma_wait3A_118 = tpu.memref_squeeze %dma_wait3A_117 : memref<1x4096xf32, #tpu.memory_space<vmem>> -> memref<4096xf32, #tpu.memory_space<vmem>>
        %dma_wait3A_119 = arith.constant 0 : i32
        %dma_wait3A_120 = tpu.memref_slice %arg4[%while3A_73, %dma_wait3A_119] : memref<832x16384xf32, #tpu.memory_space<hbm>> -> memref<1x4096xf32, #tpu.memory_space<hbm>>
        %dma_wait3A_121 = tpu.memref_squeeze %dma_wait3A_120 : memref<1x4096xf32, #tpu.memory_space<hbm>> -> memref<4096xf32, #tpu.memory_space<hbm>>
        %dma_wait3A_122 = arith.constant 0 : i32
        %dma_wait3A_123 = tpu.memref_slice %arg4[%while3A_73, %dma_wait3A_122] : memref<832x16384xf32, #tpu.memory_space<hbm>> -> memref<1x4096xf32, #tpu.memory_space<hbm>>
        %dma_wait3A_124 = tpu.memref_squeeze %dma_wait3A_123 : memref<1x4096xf32, #tpu.memory_space<hbm>> -> memref<4096xf32, #tpu.memory_space<hbm>>
        %dma_wait3A_125 = arith.constant 0 : i32
        %dma_wait3A_126 = tpu.memref_slice %arg7[%dma_wait3A_115, %dma_wait3A_125] : memref<2x4096xf32, #tpu.memory_space<vmem>> -> memref<1x4096xf32, #tpu.memory_space<vmem>>
        %dma_wait3A_127 = tpu.memref_squeeze %dma_wait3A_126 : memref<1x4096xf32, #tpu.memory_space<vmem>> -> memref<4096xf32, #tpu.memory_space<vmem>>
        tpu.wait_dma2 semaphore(%arg9 : memref<!tpu.dma_semaphore, #tpu.memory_space<semaphore_mem>>) src(%dma_wait3A_127 : memref<4096xf32, #tpu.memory_space<vmem>>) dst(%dma_wait3A_124 : memref<4096xf32, #tpu.memory_space<hbm>>)
        %parallel_loop3A_128 = arith.constant 0 : i32
        %parallel_loop3A_129 = arith.constant 4096 : i32
        %parallel_loop3A_130 = arith.constant 16 : i32
        scf.for %parallel_loop3A_199 = %parallel_loop3A_128 to %parallel_loop3A_129 step %parallel_loop3A_130  : i32 {
          %parallel_loop3A_200 = arith.constant 8192 : i32
          %parallel_loop3A_201 = arith.addi %parallel_loop3A_200, %parallel_loop3A_199 : i32
          %parallel_loop3A_202 = arith.index_cast %parallel_loop3A_201 : i32 to index
          %parallel_loop3A_203 = tpu.vector_load %arg6[%parallel_loop3A_202] {strides = array<i32>} : memref<16384xi32, #tpu.memory_space<vmem>>, vector<16xi32>,
          %parallel_loop3A_204 = tpu.vector_load_idx %arg5[%parallel_loop3A_203] : memref<100000xf32, #tpu.memory_space<vmem>>[vector<16xi32>], vector<16xf32>,
          %parallel_loop3A_205 = arith.constant 0 : i32
          %parallel_loop3A_206 = arith.index_cast %parallel_loop3A_205 : i32 to index
          %parallel_loop3A_207 = arith.index_cast %parallel_loop3A_199 : i32 to index
          %parallel_loop3A_208 = tpu.vector_load %arg7[%parallel_loop3A_206, %parallel_loop3A_207] {strides = array<i32>} : memref<2x4096xf32, #tpu.memory_space<vmem>>, vector<16xf32>,
          tpu.vector_store %arg7[%parallel_loop3A_206, %parallel_loop3A_207], %parallel_loop3A_204 {strides = array<i32>} : memref<2x4096xf32, #tpu.memory_space<vmem>>, vector<16xf32>,
        } {sc.loop_unroll_factor = 8 : i64, sc.parallel_access}
        %dma_start3A_131 = arith.constant 0 : i32
        %dma_start3A_132 = arith.constant 0 : i32
        %dma_start3A_133 = tpu.memref_slice %arg7[%dma_start3A_131, %dma_start3A_132] : memref<2x4096xf32, #tpu.memory_space<vmem>> -> memref<1x4096xf32, #tpu.memory_space<vmem>>
        %dma_start3A_134 = tpu.memref_squeeze %dma_start3A_133 : memref<1x4096xf32, #tpu.memory_space<vmem>> -> memref<4096xf32, #tpu.memory_space<vmem>>
        %dma_start3A_135 = arith.constant 8192 : i32
        %dma_start3A_136 = tpu.memref_slice %arg4[%while3A_73, %dma_start3A_135] : memref<832x16384xf32, #tpu.memory_space<hbm>> -> memref<1x4096xf32, #tpu.memory_space<hbm>>
        %dma_start3A_137 = tpu.memref_squeeze %dma_start3A_136 : memref<1x4096xf32, #tpu.memory_space<hbm>> -> memref<4096xf32, #tpu.memory_space<hbm>>
        %dma_start3A_138 = arith.constant 8192 : i32
        %dma_start3A_139 = tpu.memref_slice %arg4[%while3A_73, %dma_start3A_138] : memref<832x16384xf32, #tpu.memory_space<hbm>> -> memref<1x4096xf32, #tpu.memory_space<hbm>>
        %dma_start3A_140 = tpu.memref_squeeze %dma_start3A_139 : memref<1x4096xf32, #tpu.memory_space<hbm>> -> memref<4096xf32, #tpu.memory_space<hbm>>
        %dma_start3A_141 = arith.constant 0 : i32
        %dma_start3A_142 = tpu.memref_slice %arg7[%dma_start3A_131, %dma_start3A_141] : memref<2x4096xf32, #tpu.memory_space<vmem>> -> memref<1x4096xf32, #tpu.memory_space<vmem>>
        %dma_start3A_143 = tpu.memref_squeeze %dma_start3A_142 : memref<1x4096xf32, #tpu.memory_space<vmem>> -> memref<4096xf32, #tpu.memory_space<vmem>>
        tpu.enqueue_dma source(%dma_start3A_143 : memref<4096xf32, #tpu.memory_space<vmem>>) target(%dma_start3A_140 : memref<4096xf32, #tpu.memory_space<hbm>>) target_semaphore(%arg9 : memref<!tpu.dma_semaphore, #tpu.memory_space<semaphore_mem>>)
        %dma_wait3A_144 = arith.constant 1 : i32
        %dma_wait3A_145 = arith.constant 0 : i32
        %dma_wait3A_146 = tpu.memref_slice %arg7[%dma_wait3A_144, %dma_wait3A_145] : memref<2x4096xf32, #tpu.memory_space<vmem>> -> memref<1x4096xf32, #tpu.memory_space<vmem>>
        %dma_wait3A_147 = tpu.memref_squeeze %dma_wait3A_146 : memref<1x4096xf32, #tpu.memory_space<vmem>> -> memref<4096xf32, #tpu.memory_space<vmem>>
        %dma_wait3A_148 = arith.constant 4096 : i32
        %dma_wait3A_149 = tpu.memref_slice %arg4[%while3A_73, %dma_wait3A_148] : memref<832x16384xf32, #tpu.memory_space<hbm>> -> memref<1x4096xf32, #tpu.memory_space<hbm>>
        %dma_wait3A_150 = tpu.memref_squeeze %dma_wait3A_149 : memref<1x4096xf32, #tpu.memory_space<hbm>> -> memref<4096xf32, #tpu.memory_space<hbm>>
        %dma_wait3A_151 = arith.constant 4096 : i32
        %dma_wait3A_152 = tpu.memref_slice %arg4[%while3A_73, %dma_wait3A_151] : memref<832x16384xf32, #tpu.memory_space<hbm>> -> memref<1x4096xf32, #tpu.memory_space<hbm>>
        %dma_wait3A_153 = tpu.memref_squeeze %dma_wait3A_152 : memref<1x4096xf32, #tpu.memory_space<hbm>> -> memref<4096xf32, #tpu.memory_space<hbm>>
        %dma_wait3A_154 = arith.constant 0 : i32
        %dma_wait3A_155 = tpu.memref_slice %arg7[%dma_wait3A_144, %dma_wait3A_154] : memref<2x4096xf32, #tpu.memory_space<vmem>> -> memref<1x4096xf32, #tpu.memory_space<vmem>>
        %dma_wait3A_156 = tpu.memref_squeeze %dma_wait3A_155 : memref<1x4096xf32, #tpu.memory_space<vmem>> -> memref<4096xf32, #tpu.memory_space<vmem>>
        tpu.wait_dma2 semaphore(%arg10 : memref<!tpu.dma_semaphore, #tpu.memory_space<semaphore_mem>>) src(%dma_wait3A_156 : memref<4096xf32, #tpu.memory_space<vmem>>) dst(%dma_wait3A_153 : memref<4096xf32, #tpu.memory_space<hbm>>)
        %parallel_loop3A_157 = arith.constant 0 : i32
        %parallel_loop3A_158 = arith.constant 4096 : i32
        %parallel_loop3A_159 = arith.constant 16 : i32
        scf.for %parallel_loop3A_199 = %parallel_loop3A_157 to %parallel_loop3A_158 step %parallel_loop3A_159  : i32 {
          %parallel_loop3A_200 = arith.constant 12288 : i32
          %parallel_loop3A_201 = arith.addi %parallel_loop3A_200, %parallel_loop3A_199 : i32
          %parallel_loop3A_202 = arith.index_cast %parallel_loop3A_201 : i32 to index
          %parallel_loop3A_203 = tpu.vector_load %arg6[%parallel_loop3A_202] {strides = array<i32>} : memref<16384xi32, #tpu.memory_space<vmem>>, vector<16xi32>,
          %parallel_loop3A_204 = tpu.vector_load_idx %arg5[%parallel_loop3A_203] : memref<100000xf32, #tpu.memory_space<vmem>>[vector<16xi32>], vector<16xf32>,
          %parallel_loop3A_205 = arith.constant 1 : i32
          %parallel_loop3A_206 = arith.index_cast %parallel_loop3A_205 : i32 to index
          %parallel_loop3A_207 = arith.index_cast %parallel_loop3A_199 : i32 to index
          %parallel_loop3A_208 = tpu.vector_load %arg7[%parallel_loop3A_206, %parallel_loop3A_207] {strides = array<i32>} : memref<2x4096xf32, #tpu.memory_space<vmem>>, vector<16xf32>,
          tpu.vector_store %arg7[%parallel_loop3A_206, %parallel_loop3A_207], %parallel_loop3A_204 {strides = array<i32>} : memref<2x4096xf32, #tpu.memory_space<vmem>>, vector<16xf32>,
        } {sc.loop_unroll_factor = 8 : i64, sc.parallel_access}
        %dma_start3A_160 = arith.constant 1 : i32
        %dma_start3A_161 = arith.constant 0 : i32
        %dma_start3A_162 = tpu.memref_slice %arg7[%dma_start3A_160, %dma_start3A_161] : memref<2x4096xf32, #tpu.memory_space<vmem>> -> memref<1x4096xf32, #tpu.memory_space<vmem>>
        %dma_start3A_163 = tpu.memref_squeeze %dma_start3A_162 : memref<1x4096xf32, #tpu.memory_space<vmem>> -> memref<4096xf32, #tpu.memory_space<vmem>>
        %dma_start3A_164 = arith.constant 12288 : i32
        %dma_start3A_165 = tpu.memref_slice %arg4[%while3A_73, %dma_start3A_164] : memref<832x16384xf32, #tpu.memory_space<hbm>> -> memref<1x4096xf32, #tpu.memory_space<hbm>>
        %dma_start3A_166 = tpu.memref_squeeze %dma_start3A_165 : memref<1x4096xf32, #tpu.memory_space<hbm>> -> memref<4096xf32, #tpu.memory_space<hbm>>
        %dma_start3A_167 = arith.constant 12288 : i32
        %dma_start3A_168 = tpu.memref_slice %arg4[%while3A_73, %dma_start3A_167] : memref<832x16384xf32, #tpu.memory_space<hbm>> -> memref<1x4096xf32, #tpu.memory_space<hbm>>
        %dma_start3A_169 = tpu.memref_squeeze %dma_start3A_168 : memref<1x4096xf32, #tpu.memory_space<hbm>> -> memref<4096xf32, #tpu.memory_space<hbm>>
        %dma_start3A_170 = arith.constant 0 : i32
        %dma_start3A_171 = tpu.memref_slice %arg7[%dma_start3A_160, %dma_start3A_170] : memref<2x4096xf32, #tpu.memory_space<vmem>> -> memref<1x4096xf32, #tpu.memory_space<vmem>>
        %dma_start3A_172 = tpu.memref_squeeze %dma_start3A_171 : memref<1x4096xf32, #tpu.memory_space<vmem>> -> memref<4096xf32, #tpu.memory_space<vmem>>
        tpu.enqueue_dma source(%dma_start3A_172 : memref<4096xf32, #tpu.memory_space<vmem>>) target(%dma_start3A_169 : memref<4096xf32, #tpu.memory_space<hbm>>) target_semaphore(%arg10 : memref<!tpu.dma_semaphore, #tpu.memory_space<semaphore_mem>>)
        %dma_wait3A_173 = arith.constant 0 : i32
        %dma_wait3A_174 = arith.constant 0 : i32
        %dma_wait3A_175 = tpu.memref_slice %arg7[%dma_wait3A_173, %dma_wait3A_174] : memref<2x4096xf32, #tpu.memory_space<vmem>> -> memref<1x4096xf32, #tpu.memory_space<vmem>>
        %dma_wait3A_176 = tpu.memref_squeeze %dma_wait3A_175 : memref<1x4096xf32, #tpu.memory_space<vmem>> -> memref<4096xf32, #tpu.memory_space<vmem>>
        %dma_wait3A_177 = arith.constant 8192 : i32
        %dma_wait3A_178 = tpu.memref_slice %arg4[%while3A_73, %dma_wait3A_177] : memref<832x16384xf32, #tpu.memory_space<hbm>> -> memref<1x4096xf32, #tpu.memory_space<hbm>>
        %dma_wait3A_179 = tpu.memref_squeeze %dma_wait3A_178 : memref<1x4096xf32, #tpu.memory_space<hbm>> -> memref<4096xf32, #tpu.memory_space<hbm>>
        %dma_wait3A_180 = arith.constant 8192 : i32
        %dma_wait3A_181 = tpu.memref_slice %arg4[%while3A_73, %dma_wait3A_180] : memref<832x16384xf32, #tpu.memory_space<hbm>> -> memref<1x4096xf32, #tpu.memory_space<hbm>>
        %dma_wait3A_182 = tpu.memref_squeeze %dma_wait3A_181 : memref<1x4096xf32, #tpu.memory_space<hbm>> -> memref<4096xf32, #tpu.memory_space<hbm>>
        %dma_wait3A_183 = arith.constant 0 : i32
        %dma_wait3A_184 = tpu.memref_slice %arg7[%dma_wait3A_173, %dma_wait3A_183] : memref<2x4096xf32, #tpu.memory_space<vmem>> -> memref<1x4096xf32, #tpu.memory_space<vmem>>
        %dma_wait3A_185 = tpu.memref_squeeze %dma_wait3A_184 : memref<1x4096xf32, #tpu.memory_space<vmem>> -> memref<4096xf32, #tpu.memory_space<vmem>>
        tpu.wait_dma2 semaphore(%arg9 : memref<!tpu.dma_semaphore, #tpu.memory_space<semaphore_mem>>) src(%dma_wait3A_185 : memref<4096xf32, #tpu.memory_space<vmem>>) dst(%dma_wait3A_182 : memref<4096xf32, #tpu.memory_space<hbm>>)
        %dma_wait3A_186 = arith.constant 1 : i32
        %dma_wait3A_187 = arith.constant 0 : i32
        %dma_wait3A_188 = tpu.memref_slice %arg7[%dma_wait3A_186, %dma_wait3A_187] : memref<2x4096xf32, #tpu.memory_space<vmem>> -> memref<1x4096xf32, #tpu.memory_space<vmem>>
        %dma_wait3A_189 = tpu.memref_squeeze %dma_wait3A_188 : memref<1x4096xf32, #tpu.memory_space<vmem>> -> memref<4096xf32, #tpu.memory_space<vmem>>
        %dma_wait3A_190 = arith.constant 12288 : i32
        %dma_wait3A_191 = tpu.memref_slice %arg4[%while3A_73, %dma_wait3A_190] : memref<832x16384xf32, #tpu.memory_space<hbm>> -> memref<1x4096xf32, #tpu.memory_space<hbm>>
        %dma_wait3A_192 = tpu.memref_squeeze %dma_wait3A_191 : memref<1x4096xf32, #tpu.memory_space<hbm>> -> memref<4096xf32, #tpu.memory_space<hbm>>
        %dma_wait3A_193 = arith.constant 12288 : i32
        %dma_wait3A_194 = tpu.memref_slice %arg4[%while3A_73, %dma_wait3A_193] : memref<832x16384xf32, #tpu.memory_space<hbm>> -> memref<1x4096xf32, #tpu.memory_space<hbm>>
        %dma_wait3A_195 = tpu.memref_squeeze %dma_wait3A_194 : memref<1x4096xf32, #tpu.memory_space<hbm>> -> memref<4096xf32, #tpu.memory_space<hbm>>
        %dma_wait3A_196 = arith.constant 0 : i32
        %dma_wait3A_197 = tpu.memref_slice %arg7[%dma_wait3A_186, %dma_wait3A_196] : memref<2x4096xf32, #tpu.memory_space<vmem>> -> memref<1x4096xf32, #tpu.memory_space<vmem>>
        %dma_wait3A_198 = tpu.memref_squeeze %dma_wait3A_197 : memref<1x4096xf32, #tpu.memory_space<vmem>> -> memref<4096xf32, #tpu.memory_space<vmem>>
        tpu.wait_dma2 semaphore(%arg10 : memref<!tpu.dma_semaphore, #tpu.memory_space<semaphore_mem>>) src(%dma_wait3A_198 : memref<4096xf32, #tpu.memory_space<vmem>>) dst(%dma_wait3A_195 : memref<4096xf32, #tpu.memory_space<hbm>>)
      }
    }
    %while3A_56 = arith.constant 1 : i32
    scf.for %while3A_57 = %while3A_54 to %while3A_50 step %while3A_56  : i32 {
      "tpu.region"() ({
        %run_scoped3A = tpu.sem_alloc : memref<!tpu.dma_semaphore, #tpu.memory_space<semaphore_mem>>
        %dma_start3A = arith.constant 0 : i32
        %dma_start3A_73 = tpu.memref_slice %arg2[%while3A_57, %dma_start3A] : memref<26x16384xi32, #tpu.memory_space<hbm>> -> memref<1x16384xi32, #tpu.memory_space<hbm>>
        %dma_start3A_74 = tpu.memref_squeeze %dma_start3A_73 : memref<1x16384xi32, #tpu.memory_space<hbm>> -> memref<16384xi32, #tpu.memory_space<hbm>>
        %dma_start3A_75 = arith.constant 0 : i32
        %dma_start3A_76 = tpu.memref_slice %arg2[%while3A_57, %dma_start3A_75] : memref<26x16384xi32, #tpu.memory_space<hbm>> -> memref<1x16384xi32, #tpu.memory_space<hbm>>
        %dma_start3A_77 = tpu.memref_squeeze %dma_start3A_76 : memref<1x16384xi32, #tpu.memory_space<hbm>> -> memref<16384xi32, #tpu.memory_space<hbm>>
        tpu.enqueue_dma source(%dma_start3A_77 : memref<16384xi32, #tpu.memory_space<hbm>>) target(%arg6 : memref<16384xi32, #tpu.memory_space<vmem>>) target_semaphore(%run_scoped3A : memref<!tpu.dma_semaphore, #tpu.memory_space<semaphore_mem>>)
        %dma_wait3A = arith.constant 0 : i32
        %dma_wait3A_78 = tpu.memref_slice %arg2[%while3A_57, %dma_wait3A] : memref<26x16384xi32, #tpu.memory_space<hbm>> -> memref<1x16384xi32, #tpu.memory_space<hbm>>
        %dma_wait3A_79 = tpu.memref_squeeze %dma_wait3A_78 : memref<1x16384xi32, #tpu.memory_space<hbm>> -> memref<16384xi32, #tpu.memory_space<hbm>>
        %dma_wait3A_80 = arith.constant 0 : i32
        %dma_wait3A_81 = tpu.memref_slice %arg2[%while3A_57, %dma_wait3A_80] : memref<26x16384xi32, #tpu.memory_space<hbm>> -> memref<1x16384xi32, #tpu.memory_space<hbm>>
        %dma_wait3A_82 = tpu.memref_squeeze %dma_wait3A_81 : memref<1x16384xi32, #tpu.memory_space<hbm>> -> memref<16384xi32, #tpu.memory_space<hbm>>
        tpu.wait_dma2 semaphore(%run_scoped3A : memref<!tpu.dma_semaphore, #tpu.memory_space<semaphore_mem>>) src(%dma_wait3A_82 : memref<16384xi32, #tpu.memory_space<hbm>>) dst(%arg6 : memref<16384xi32, #tpu.memory_space<vmem>>)
        tpu.yield
      }) : () -> ()
      %mul3A_58 = arith.constant 32 : i32
      %mul3A_59 = arith.muli %while3A_57, %mul3A_58 : i32
      %max3A = arith.maxsi %mul3A_2, %mul3A_59 : i32
      %add3A_60 = arith.constant 1 : i32
      %add3A_61 = arith.addi %while3A_57, %add3A_60 : i32
      %mul3A_62 = arith.constant 32 : i32
      %mul3A_63 = arith.muli %add3A_61, %mul3A_62 : i32
      %min3A = arith.minsi %add3A_4, %mul3A_63 : i32
      %while3A_64 = arith.constant 0 : i32
      %while3A_65 = arith.subi %min3A, %max3A : i32
      %while3A_66 = arith.addi %max3A, %while3A_65 : i32
      %while3A_67 = arith.constant 1 : i32
      %while3A_68 = arith.divsi %while3A_65, %while3A_67 : i32
      %while3A_69 = arith.muli %while3A_68, %while3A_67 : i32
      %while3A_70 = arith.addi %max3A, %while3A_69 : i32
      %while3A_71 = arith.constant 1 : i32
      scf.for %while3A_73 = %max3A to %while3A_70 step %while3A_71  : i32 {
        %dma_start3A = arith.constant 0 : i32
        %dma_start3A_74 = tpu.memref_slice %arg3[%while3A_73, %dma_start3A] : memref<832x100000xf32, #tpu.memory_space<hbm>> -> memref<1x100000xf32, #tpu.memory_space<hbm>>
        %dma_start3A_75 = tpu.memref_squeeze %dma_start3A_74 : memref<1x100000xf32, #tpu.memory_space<hbm>> -> memref<100000xf32, #tpu.memory_space<hbm>>
        %dma_start3A_76 = arith.constant 0 : i32
        %dma_start3A_77 = tpu.memref_slice %arg3[%while3A_73, %dma_start3A_76] : memref<832x100000xf32, #tpu.memory_space<hbm>> -> memref<1x100000xf32, #tpu.memory_space<hbm>>
        %dma_start3A_78 = tpu.memref_squeeze %dma_start3A_77 : memref<1x100000xf32, #tpu.memory_space<hbm>> -> memref<100000xf32, #tpu.memory_space<hbm>>
        tpu.enqueue_dma source(%dma_start3A_78 : memref<100000xf32, #tpu.memory_space<hbm>>) target(%arg5 : memref<100000xf32, #tpu.memory_space<vmem>>) target_semaphore(%arg8 : memref<!tpu.dma_semaphore, #tpu.memory_space<semaphore_mem>>)
        %dma_wait3A = arith.constant 0 : i32
        %dma_wait3A_79 = tpu.memref_slice %arg3[%while3A_73, %dma_wait3A] : memref<832x100000xf32, #tpu.memory_space<hbm>> -> memref<1x100000xf32, #tpu.memory_space<hbm>>
        %dma_wait3A_80 = tpu.memref_squeeze %dma_wait3A_79 : memref<1x100000xf32, #tpu.memory_space<hbm>> -> memref<100000xf32, #tpu.memory_space<hbm>>
        %dma_wait3A_81 = arith.constant 0 : i32
        %dma_wait3A_82 = tpu.memref_slice %arg3[%while3A_73, %dma_wait3A_81] : memref<832x100000xf32, #tpu.memory_space<hbm>> -> memref<1x100000xf32, #tpu.memory_space<hbm>>
        %dma_wait3A_83 = tpu.memref_squeeze %dma_wait3A_82 : memref<1x100000xf32, #tpu.memory_space<hbm>> -> memref<100000xf32, #tpu.memory_space<hbm>>
        tpu.wait_dma2 semaphore(%arg8 : memref<!tpu.dma_semaphore, #tpu.memory_space<semaphore_mem>>) src(%dma_wait3A_83 : memref<100000xf32, #tpu.memory_space<hbm>>) dst(%arg5 : memref<100000xf32, #tpu.memory_space<vmem>>)
        %parallel_loop3A = arith.constant 0 : i32
        %parallel_loop3A_84 = arith.constant 4096 : i32
        %parallel_loop3A_85 = arith.constant 16 : i32
        scf.for %parallel_loop3A_199 = %parallel_loop3A to %parallel_loop3A_84 step %parallel_loop3A_85  : i32 {
          %parallel_loop3A_200 = arith.constant 0 : i32
          %parallel_loop3A_201 = arith.addi %parallel_loop3A_200, %parallel_loop3A_199 : i32
          %parallel_loop3A_202 = arith.index_cast %parallel_loop3A_201 : i32 to index
          %parallel_loop3A_203 = tpu.vector_load %arg6[%parallel_loop3A_202] {strides = array<i32>} : memref<16384xi32, #tpu.memory_space<vmem>>, vector<16xi32>,
          %parallel_loop3A_204 = tpu.vector_load_idx %arg5[%parallel_loop3A_203] : memref<100000xf32, #tpu.memory_space<vmem>>[vector<16xi32>], vector<16xf32>,
          %parallel_loop3A_205 = arith.constant 0 : i32
          %parallel_loop3A_206 = arith.index_cast %parallel_loop3A_205 : i32 to index
          %parallel_loop3A_207 = arith.index_cast %parallel_loop3A_199 : i32 to index
          %parallel_loop3A_208 = tpu.vector_load %arg7[%parallel_loop3A_206, %parallel_loop3A_207] {strides = array<i32>} : memref<2x4096xf32, #tpu.memory_space<vmem>>, vector<16xf32>,
          tpu.vector_store %arg7[%parallel_loop3A_206, %parallel_loop3A_207], %parallel_loop3A_204 {strides = array<i32>} : memref<2x4096xf32, #tpu.memory_space<vmem>>, vector<16xf32>,
        } {sc.loop_unroll_factor = 8 : i64, sc.parallel_access}
        %dma_start3A_86 = arith.constant 0 : i32
        %dma_start3A_87 = arith.constant 0 : i32
        %dma_start3A_88 = tpu.memref_slice %arg7[%dma_start3A_86, %dma_start3A_87] : memref<2x4096xf32, #tpu.memory_space<vmem>> -> memref<1x4096xf32, #tpu.memory_space<vmem>>
        %dma_start3A_89 = tpu.memref_squeeze %dma_start3A_88 : memref<1x4096xf32, #tpu.memory_space<vmem>> -> memref<4096xf32, #tpu.memory_space<vmem>>
        %dma_start3A_90 = arith.constant 0 : i32
        %dma_start3A_91 = tpu.memref_slice %arg4[%while3A_73, %dma_start3A_90] : memref<832x16384xf32, #tpu.memory_space<hbm>> -> memref<1x4096xf32, #tpu.memory_space<hbm>>
        %dma_start3A_92 = tpu.memref_squeeze %dma_start3A_91 : memref<1x4096xf32, #tpu.memory_space<hbm>> -> memref<4096xf32, #tpu.memory_space<hbm>>
        %dma_start3A_93 = arith.constant 0 : i32
        %dma_start3A_94 = tpu.memref_slice %arg4[%while3A_73, %dma_start3A_93] : memref<832x16384xf32, #tpu.memory_space<hbm>> -> memref<1x4096xf32, #tpu.memory_space<hbm>>
        %dma_start3A_95 = tpu.memref_squeeze %dma_start3A_94 : memref<1x4096xf32, #tpu.memory_space<hbm>> -> memref<4096xf32, #tpu.memory_space<hbm>>
        %dma_start3A_96 = arith.constant 0 : i32
        %dma_start3A_97 = tpu.memref_slice %arg7[%dma_start3A_86, %dma_start3A_96] : memref<2x4096xf32, #tpu.memory_space<vmem>> -> memref<1x4096xf32, #tpu.memory_space<vmem>>
        %dma_start3A_98 = tpu.memref_squeeze %dma_start3A_97 : memref<1x4096xf32, #tpu.memory_space<vmem>> -> memref<4096xf32, #tpu.memory_space<vmem>>
        tpu.enqueue_dma source(%dma_start3A_98 : memref<4096xf32, #tpu.memory_space<vmem>>) target(%dma_start3A_95 : memref<4096xf32, #tpu.memory_space<hbm>>) target_semaphore(%arg9 : memref<!tpu.dma_semaphore, #tpu.memory_space<semaphore_mem>>)
        %parallel_loop3A_99 = arith.constant 0 : i32
        %parallel_loop3A_100 = arith.constant 4096 : i32
        %parallel_loop3A_101 = arith.constant 16 : i32
        scf.for %parallel_loop3A_199 = %parallel_loop3A_99 to %parallel_loop3A_100 step %parallel_loop3A_101  : i32 {
          %parallel_loop3A_200 = arith.constant 4096 : i32
          %parallel_loop3A_201 = arith.addi %parallel_loop3A_200, %parallel_loop3A_199 : i32
          %parallel_loop3A_202 = arith.index_cast %parallel_loop3A_201 : i32 to index
          %parallel_loop3A_203 = tpu.vector_load %arg6[%parallel_loop3A_202] {strides = array<i32>} : memref<16384xi32, #tpu.memory_space<vmem>>, vector<16xi32>,
          %parallel_loop3A_204 = tpu.vector_load_idx %arg5[%parallel_loop3A_203] : memref<100000xf32, #tpu.memory_space<vmem>>[vector<16xi32>], vector<16xf32>,
          %parallel_loop3A_205 = arith.constant 1 : i32
          %parallel_loop3A_206 = arith.index_cast %parallel_loop3A_205 : i32 to index
          %parallel_loop3A_207 = arith.index_cast %parallel_loop3A_199 : i32 to index
          %parallel_loop3A_208 = tpu.vector_load %arg7[%parallel_loop3A_206, %parallel_loop3A_207] {strides = array<i32>} : memref<2x4096xf32, #tpu.memory_space<vmem>>, vector<16xf32>,
          tpu.vector_store %arg7[%parallel_loop3A_206, %parallel_loop3A_207], %parallel_loop3A_204 {strides = array<i32>} : memref<2x4096xf32, #tpu.memory_space<vmem>>, vector<16xf32>,
        } {sc.loop_unroll_factor = 8 : i64, sc.parallel_access}
        %dma_start3A_102 = arith.constant 1 : i32
        %dma_start3A_103 = arith.constant 0 : i32
        %dma_start3A_104 = tpu.memref_slice %arg7[%dma_start3A_102, %dma_start3A_103] : memref<2x4096xf32, #tpu.memory_space<vmem>> -> memref<1x4096xf32, #tpu.memory_space<vmem>>
        %dma_start3A_105 = tpu.memref_squeeze %dma_start3A_104 : memref<1x4096xf32, #tpu.memory_space<vmem>> -> memref<4096xf32, #tpu.memory_space<vmem>>
        %dma_start3A_106 = arith.constant 4096 : i32
        %dma_start3A_107 = tpu.memref_slice %arg4[%while3A_73, %dma_start3A_106] : memref<832x16384xf32, #tpu.memory_space<hbm>> -> memref<1x4096xf32, #tpu.memory_space<hbm>>
        %dma_start3A_108 = tpu.memref_squeeze %dma_start3A_107 : memref<1x4096xf32, #tpu.memory_space<hbm>> -> memref<4096xf32, #tpu.memory_space<hbm>>
        %dma_start3A_109 = arith.constant 4096 : i32
        %dma_start3A_110 = tpu.memref_slice %arg4[%while3A_73, %dma_start3A_109] : memref<832x16384xf32, #tpu.memory_space<hbm>> -> memref<1x4096xf32, #tpu.memory_space<hbm>>
        %dma_start3A_111 = tpu.memref_squeeze %dma_start3A_110 : memref<1x4096xf32, #tpu.memory_space<hbm>> -> memref<4096xf32, #tpu.memory_space<hbm>>
        %dma_start3A_112 = arith.constant 0 : i32
        %dma_start3A_113 = tpu.memref_slice %arg7[%dma_start3A_102, %dma_start3A_112] : memref<2x4096xf32, #tpu.memory_space<vmem>> -> memref<1x4096xf32, #tpu.memory_space<vmem>>
        %dma_start3A_114 = tpu.memref_squeeze %dma_start3A_113 : memref<1x4096xf32, #tpu.memory_space<vmem>> -> memref<4096xf32, #tpu.memory_space<vmem>>
        tpu.enqueue_dma source(%dma_start3A_114 : memref<4096xf32, #tpu.memory_space<vmem>>) target(%dma_start3A_111 : memref<4096xf32, #tpu.memory_space<hbm>>) target_semaphore(%arg10 : memref<!tpu.dma_semaphore, #tpu.memory_space<semaphore_mem>>)
        %dma_wait3A_115 = arith.constant 0 : i32
        %dma_wait3A_116 = arith.constant 0 : i32
        %dma_wait3A_117 = tpu.memref_slice %arg7[%dma_wait3A_115, %dma_wait3A_116] : memref<2x4096xf32, #tpu.memory_space<vmem>> -> memref<1x4096xf32, #tpu.memory_space<vmem>>
        %dma_wait3A_118 = tpu.memref_squeeze %dma_wait3A_117 : memref<1x4096xf32, #tpu.memory_space<vmem>> -> memref<4096xf32, #tpu.memory_space<vmem>>
        %dma_wait3A_119 = arith.constant 0 : i32
        %dma_wait3A_120 = tpu.memref_slice %arg4[%while3A_73, %dma_wait3A_119] : memref<832x16384xf32, #tpu.memory_space<hbm>> -> memref<1x4096xf32, #tpu.memory_space<hbm>>
        %dma_wait3A_121 = tpu.memref_squeeze %dma_wait3A_120 : memref<1x4096xf32, #tpu.memory_space<hbm>> -> memref<4096xf32, #tpu.memory_space<hbm>>
        %dma_wait3A_122 = arith.constant 0 : i32
        %dma_wait3A_123 = tpu.memref_slice %arg4[%while3A_73, %dma_wait3A_122] : memref<832x16384xf32, #tpu.memory_space<hbm>> -> memref<1x4096xf32, #tpu.memory_space<hbm>>
        %dma_wait3A_124 = tpu.memref_squeeze %dma_wait3A_123 : memref<1x4096xf32, #tpu.memory_space<hbm>> -> memref<4096xf32, #tpu.memory_space<hbm>>
        %dma_wait3A_125 = arith.constant 0 : i32
        %dma_wait3A_126 = tpu.memref_slice %arg7[%dma_wait3A_115, %dma_wait3A_125] : memref<2x4096xf32, #tpu.memory_space<vmem>> -> memref<1x4096xf32, #tpu.memory_space<vmem>>
        %dma_wait3A_127 = tpu.memref_squeeze %dma_wait3A_126 : memref<1x4096xf32, #tpu.memory_space<vmem>> -> memref<4096xf32, #tpu.memory_space<vmem>>
        tpu.wait_dma2 semaphore(%arg9 : memref<!tpu.dma_semaphore, #tpu.memory_space<semaphore_mem>>) src(%dma_wait3A_127 : memref<4096xf32, #tpu.memory_space<vmem>>) dst(%dma_wait3A_124 : memref<4096xf32, #tpu.memory_space<hbm>>)
        %parallel_loop3A_128 = arith.constant 0 : i32
        %parallel_loop3A_129 = arith.constant 4096 : i32
        %parallel_loop3A_130 = arith.constant 16 : i32
        scf.for %parallel_loop3A_199 = %parallel_loop3A_128 to %parallel_loop3A_129 step %parallel_loop3A_130  : i32 {
          %parallel_loop3A_200 = arith.constant 8192 : i32
          %parallel_loop3A_201 = arith.addi %parallel_loop3A_200, %parallel_loop3A_199 : i32
          %parallel_loop3A_202 = arith.index_cast %parallel_loop3A_201 : i32 to index
          %parallel_loop3A_203 = tpu.vector_load %arg6[%parallel_loop3A_202] {strides = array<i32>} : memref<16384xi32, #tpu.memory_space<vmem>>, vector<16xi32>,
          %parallel_loop3A_204 = tpu.vector_load_idx %arg5[%parallel_loop3A_203] : memref<100000xf32, #tpu.memory_space<vmem>>[vector<16xi32>], vector<16xf32>,
          %parallel_loop3A_205 = arith.constant 0 : i32
          %parallel_loop3A_206 = arith.index_cast %parallel_loop3A_205 : i32 to index
          %parallel_loop3A_207 = arith.index_cast %parallel_loop3A_199 : i32 to index
          %parallel_loop3A_208 = tpu.vector_load %arg7[%parallel_loop3A_206, %parallel_loop3A_207] {strides = array<i32>} : memref<2x4096xf32, #tpu.memory_space<vmem>>, vector<16xf32>,
          tpu.vector_store %arg7[%parallel_loop3A_206, %parallel_loop3A_207], %parallel_loop3A_204 {strides = array<i32>} : memref<2x4096xf32, #tpu.memory_space<vmem>>, vector<16xf32>,
        } {sc.loop_unroll_factor = 8 : i64, sc.parallel_access}
        %dma_start3A_131 = arith.constant 0 : i32
        %dma_start3A_132 = arith.constant 0 : i32
        %dma_start3A_133 = tpu.memref_slice %arg7[%dma_start3A_131, %dma_start3A_132] : memref<2x4096xf32, #tpu.memory_space<vmem>> -> memref<1x4096xf32, #tpu.memory_space<vmem>>
        %dma_start3A_134 = tpu.memref_squeeze %dma_start3A_133 : memref<1x4096xf32, #tpu.memory_space<vmem>> -> memref<4096xf32, #tpu.memory_space<vmem>>
        %dma_start3A_135 = arith.constant 8192 : i32
        %dma_start3A_136 = tpu.memref_slice %arg4[%while3A_73, %dma_start3A_135] : memref<832x16384xf32, #tpu.memory_space<hbm>> -> memref<1x4096xf32, #tpu.memory_space<hbm>>
        %dma_start3A_137 = tpu.memref_squeeze %dma_start3A_136 : memref<1x4096xf32, #tpu.memory_space<hbm>> -> memref<4096xf32, #tpu.memory_space<hbm>>
        %dma_start3A_138 = arith.constant 8192 : i32
        %dma_start3A_139 = tpu.memref_slice %arg4[%while3A_73, %dma_start3A_138] : memref<832x16384xf32, #tpu.memory_space<hbm>> -> memref<1x4096xf32, #tpu.memory_space<hbm>>
        %dma_start3A_140 = tpu.memref_squeeze %dma_start3A_139 : memref<1x4096xf32, #tpu.memory_space<hbm>> -> memref<4096xf32, #tpu.memory_space<hbm>>
        %dma_start3A_141 = arith.constant 0 : i32
        %dma_start3A_142 = tpu.memref_slice %arg7[%dma_start3A_131, %dma_start3A_141] : memref<2x4096xf32, #tpu.memory_space<vmem>> -> memref<1x4096xf32, #tpu.memory_space<vmem>>
        %dma_start3A_143 = tpu.memref_squeeze %dma_start3A_142 : memref<1x4096xf32, #tpu.memory_space<vmem>> -> memref<4096xf32, #tpu.memory_space<vmem>>
        tpu.enqueue_dma source(%dma_start3A_143 : memref<4096xf32, #tpu.memory_space<vmem>>) target(%dma_start3A_140 : memref<4096xf32, #tpu.memory_space<hbm>>) target_semaphore(%arg9 : memref<!tpu.dma_semaphore, #tpu.memory_space<semaphore_mem>>)
        %dma_wait3A_144 = arith.constant 1 : i32
        %dma_wait3A_145 = arith.constant 0 : i32
        %dma_wait3A_146 = tpu.memref_slice %arg7[%dma_wait3A_144, %dma_wait3A_145] : memref<2x4096xf32, #tpu.memory_space<vmem>> -> memref<1x4096xf32, #tpu.memory_space<vmem>>
        %dma_wait3A_147 = tpu.memref_squeeze %dma_wait3A_146 : memref<1x4096xf32, #tpu.memory_space<vmem>> -> memref<4096xf32, #tpu.memory_space<vmem>>
        %dma_wait3A_148 = arith.constant 4096 : i32
        %dma_wait3A_149 = tpu.memref_slice %arg4[%while3A_73, %dma_wait3A_148] : memref<832x16384xf32, #tpu.memory_space<hbm>> -> memref<1x4096xf32, #tpu.memory_space<hbm>>
        %dma_wait3A_150 = tpu.memref_squeeze %dma_wait3A_149 : memref<1x4096xf32, #tpu.memory_space<hbm>> -> memref<4096xf32, #tpu.memory_space<hbm>>
        %dma_wait3A_151 = arith.constant 4096 : i32
        %dma_wait3A_152 = tpu.memref_slice %arg4[%while3A_73, %dma_wait3A_151] : memref<832x16384xf32, #tpu.memory_space<hbm>> -> memref<1x4096xf32, #tpu.memory_space<hbm>>
        %dma_wait3A_153 = tpu.memref_squeeze %dma_wait3A_152 : memref<1x4096xf32, #tpu.memory_space<hbm>> -> memref<4096xf32, #tpu.memory_space<hbm>>
        %dma_wait3A_154 = arith.constant 0 : i32
        %dma_wait3A_155 = tpu.memref_slice %arg7[%dma_wait3A_144, %dma_wait3A_154] : memref<2x4096xf32, #tpu.memory_space<vmem>> -> memref<1x4096xf32, #tpu.memory_space<vmem>>
        %dma_wait3A_156 = tpu.memref_squeeze %dma_wait3A_155 : memref<1x4096xf32, #tpu.memory_space<vmem>> -> memref<4096xf32, #tpu.memory_space<vmem>>
        tpu.wait_dma2 semaphore(%arg10 : memref<!tpu.dma_semaphore, #tpu.memory_space<semaphore_mem>>) src(%dma_wait3A_156 : memref<4096xf32, #tpu.memory_space<vmem>>) dst(%dma_wait3A_153 : memref<4096xf32, #tpu.memory_space<hbm>>)
        %parallel_loop3A_157 = arith.constant 0 : i32
        %parallel_loop3A_158 = arith.constant 4096 : i32
        %parallel_loop3A_159 = arith.constant 16 : i32
        scf.for %parallel_loop3A_199 = %parallel_loop3A_157 to %parallel_loop3A_158 step %parallel_loop3A_159  : i32 {
          %parallel_loop3A_200 = arith.constant 12288 : i32
          %parallel_loop3A_201 = arith.addi %parallel_loop3A_200, %parallel_loop3A_199 : i32
          %parallel_loop3A_202 = arith.index_cast %parallel_loop3A_201 : i32 to index
          %parallel_loop3A_203 = tpu.vector_load %arg6[%parallel_loop3A_202] {strides = array<i32>} : memref<16384xi32, #tpu.memory_space<vmem>>, vector<16xi32>,
          %parallel_loop3A_204 = tpu.vector_load_idx %arg5[%parallel_loop3A_203] : memref<100000xf32, #tpu.memory_space<vmem>>[vector<16xi32>], vector<16xf32>,
          %parallel_loop3A_205 = arith.constant 1 : i32
          %parallel_loop3A_206 = arith.index_cast %parallel_loop3A_205 : i32 to index
          %parallel_loop3A_207 = arith.index_cast %parallel_loop3A_199 : i32 to index
          %parallel_loop3A_208 = tpu.vector_load %arg7[%parallel_loop3A_206, %parallel_loop3A_207] {strides = array<i32>} : memref<2x4096xf32, #tpu.memory_space<vmem>>, vector<16xf32>,
          tpu.vector_store %arg7[%parallel_loop3A_206, %parallel_loop3A_207], %parallel_loop3A_204 {strides = array<i32>} : memref<2x4096xf32, #tpu.memory_space<vmem>>, vector<16xf32>,
        } {sc.loop_unroll_factor = 8 : i64, sc.parallel_access}
        %dma_start3A_160 = arith.constant 1 : i32
        %dma_start3A_161 = arith.constant 0 : i32
        %dma_start3A_162 = tpu.memref_slice %arg7[%dma_start3A_160, %dma_start3A_161] : memref<2x4096xf32, #tpu.memory_space<vmem>> -> memref<1x4096xf32, #tpu.memory_space<vmem>>
        %dma_start3A_163 = tpu.memref_squeeze %dma_start3A_162 : memref<1x4096xf32, #tpu.memory_space<vmem>> -> memref<4096xf32, #tpu.memory_space<vmem>>
        %dma_start3A_164 = arith.constant 12288 : i32
        %dma_start3A_165 = tpu.memref_slice %arg4[%while3A_73, %dma_start3A_164] : memref<832x16384xf32, #tpu.memory_space<hbm>> -> memref<1x4096xf32, #tpu.memory_space<hbm>>
        %dma_start3A_166 = tpu.memref_squeeze %dma_start3A_165 : memref<1x4096xf32, #tpu.memory_space<hbm>> -> memref<4096xf32, #tpu.memory_space<hbm>>
        %dma_start3A_167 = arith.constant 12288 : i32
        %dma_start3A_168 = tpu.memref_slice %arg4[%while3A_73, %dma_start3A_167] : memref<832x16384xf32, #tpu.memory_space<hbm>> -> memref<1x4096xf32, #tpu.memory_space<hbm>>
        %dma_start3A_169 = tpu.memref_squeeze %dma_start3A_168 : memref<1x4096xf32, #tpu.memory_space<hbm>> -> memref<4096xf32, #tpu.memory_space<hbm>>
        %dma_start3A_170 = arith.constant 0 : i32
        %dma_start3A_171 = tpu.memref_slice %arg7[%dma_start3A_160, %dma_start3A_170] : memref<2x4096xf32, #tpu.memory_space<vmem>> -> memref<1x4096xf32, #tpu.memory_space<vmem>>
        %dma_start3A_172 = tpu.memref_squeeze %dma_start3A_171 : memref<1x4096xf32, #tpu.memory_space<vmem>> -> memref<4096xf32, #tpu.memory_space<vmem>>
        tpu.enqueue_dma source(%dma_start3A_172 : memref<4096xf32, #tpu.memory_space<vmem>>) target(%dma_start3A_169 : memref<4096xf32, #tpu.memory_space<hbm>>) target_semaphore(%arg10 : memref<!tpu.dma_semaphore, #tpu.memory_space<semaphore_mem>>)
        %dma_wait3A_173 = arith.constant 0 : i32
        %dma_wait3A_174 = arith.constant 0 : i32
        %dma_wait3A_175 = tpu.memref_slice %arg7[%dma_wait3A_173, %dma_wait3A_174] : memref<2x4096xf32, #tpu.memory_space<vmem>> -> memref<1x4096xf32, #tpu.memory_space<vmem>>
        %dma_wait3A_176 = tpu.memref_squeeze %dma_wait3A_175 : memref<1x4096xf32, #tpu.memory_space<vmem>> -> memref<4096xf32, #tpu.memory_space<vmem>>
        %dma_wait3A_177 = arith.constant 8192 : i32
        %dma_wait3A_178 = tpu.memref_slice %arg4[%while3A_73, %dma_wait3A_177] : memref<832x16384xf32, #tpu.memory_space<hbm>> -> memref<1x4096xf32, #tpu.memory_space<hbm>>
        %dma_wait3A_179 = tpu.memref_squeeze %dma_wait3A_178 : memref<1x4096xf32, #tpu.memory_space<hbm>> -> memref<4096xf32, #tpu.memory_space<hbm>>
        %dma_wait3A_180 = arith.constant 8192 : i32
        %dma_wait3A_181 = tpu.memref_slice %arg4[%while3A_73, %dma_wait3A_180] : memref<832x16384xf32, #tpu.memory_space<hbm>> -> memref<1x4096xf32, #tpu.memory_space<hbm>>
        %dma_wait3A_182 = tpu.memref_squeeze %dma_wait3A_181 : memref<1x4096xf32, #tpu.memory_space<hbm>> -> memref<4096xf32, #tpu.memory_space<hbm>>
        %dma_wait3A_183 = arith.constant 0 : i32
        %dma_wait3A_184 = tpu.memref_slice %arg7[%dma_wait3A_173, %dma_wait3A_183] : memref<2x4096xf32, #tpu.memory_space<vmem>> -> memref<1x4096xf32, #tpu.memory_space<vmem>>
        %dma_wait3A_185 = tpu.memref_squeeze %dma_wait3A_184 : memref<1x4096xf32, #tpu.memory_space<vmem>> -> memref<4096xf32, #tpu.memory_space<vmem>>
        tpu.wait_dma2 semaphore(%arg9 : memref<!tpu.dma_semaphore, #tpu.memory_space<semaphore_mem>>) src(%dma_wait3A_185 : memref<4096xf32, #tpu.memory_space<vmem>>) dst(%dma_wait3A_182 : memref<4096xf32, #tpu.memory_space<hbm>>)
        %dma_wait3A_186 = arith.constant 1 : i32
        %dma_wait3A_187 = arith.constant 0 : i32
        %dma_wait3A_188 = tpu.memref_slice %arg7[%dma_wait3A_186, %dma_wait3A_187] : memref<2x4096xf32, #tpu.memory_space<vmem>> -> memref<1x4096xf32, #tpu.memory_space<vmem>>
        %dma_wait3A_189 = tpu.memref_squeeze %dma_wait3A_188 : memref<1x4096xf32, #tpu.memory_space<vmem>> -> memref<4096xf32, #tpu.memory_space<vmem>>
        %dma_wait3A_190 = arith.constant 12288 : i32
        %dma_wait3A_191 = tpu.memref_slice %arg4[%while3A_73, %dma_wait3A_190] : memref<832x16384xf32, #tpu.memory_space<hbm>> -> memref<1x4096xf32, #tpu.memory_space<hbm>>
        %dma_wait3A_192 = tpu.memref_squeeze %dma_wait3A_191 : memref<1x4096xf32, #tpu.memory_space<hbm>> -> memref<4096xf32, #tpu.memory_space<hbm>>
        %dma_wait3A_193 = arith.constant 12288 : i32
        %dma_wait3A_194 = tpu.memref_slice %arg4[%while3A_73, %dma_wait3A_193] : memref<832x16384xf32, #tpu.memory_space<hbm>> -> memref<1x4096xf32, #tpu.memory_space<hbm>>
        %dma_wait3A_195 = tpu.memref_squeeze %dma_wait3A_194 : memref<1x4096xf32, #tpu.memory_space<hbm>> -> memref<4096xf32, #tpu.memory_space<hbm>>
        %dma_wait3A_196 = arith.constant 0 : i32
        %dma_wait3A_197 = tpu.memref_slice %arg7[%dma_wait3A_186, %dma_wait3A_196] : memref<2x4096xf32, #tpu.memory_space<vmem>> -> memref<1x4096xf32, #tpu.memory_space<vmem>>
        %dma_wait3A_198 = tpu.memref_squeeze %dma_wait3A_197 : memref<1x4096xf32, #tpu.memory_space<vmem>> -> memref<4096xf32, #tpu.memory_space<vmem>>
        tpu.wait_dma2 semaphore(%arg10 : memref<!tpu.dma_semaphore, #tpu.memory_space<semaphore_mem>>) src(%dma_wait3A_198 : memref<4096xf32, #tpu.memory_space<vmem>>) dst(%dma_wait3A_195 : memref<4096xf32, #tpu.memory_space<hbm>>)
      }
      %while3A_72 = arith.constant 1 : i32
      scf.for %while3A_73 = %while3A_70 to %while3A_66 step %while3A_72  : i32 {
        %dma_start3A = arith.constant 0 : i32
        %dma_start3A_74 = tpu.memref_slice %arg3[%while3A_73, %dma_start3A] : memref<832x100000xf32, #tpu.memory_space<hbm>> -> memref<1x100000xf32, #tpu.memory_space<hbm>>
        %dma_start3A_75 = tpu.memref_squeeze %dma_start3A_74 : memref<1x100000xf32, #tpu.memory_space<hbm>> -> memref<100000xf32, #tpu.memory_space<hbm>>
        %dma_start3A_76 = arith.constant 0 : i32
        %dma_start3A_77 = tpu.memref_slice %arg3[%while3A_73, %dma_start3A_76] : memref<832x100000xf32, #tpu.memory_space<hbm>> -> memref<1x100000xf32, #tpu.memory_space<hbm>>
        %dma_start3A_78 = tpu.memref_squeeze %dma_start3A_77 : memref<1x100000xf32, #tpu.memory_space<hbm>> -> memref<100000xf32, #tpu.memory_space<hbm>>
        tpu.enqueue_dma source(%dma_start3A_78 : memref<100000xf32, #tpu.memory_space<hbm>>) target(%arg5 : memref<100000xf32, #tpu.memory_space<vmem>>) target_semaphore(%arg8 : memref<!tpu.dma_semaphore, #tpu.memory_space<semaphore_mem>>)
        %dma_wait3A = arith.constant 0 : i32
        %dma_wait3A_79 = tpu.memref_slice %arg3[%while3A_73, %dma_wait3A] : memref<832x100000xf32, #tpu.memory_space<hbm>> -> memref<1x100000xf32, #tpu.memory_space<hbm>>
        %dma_wait3A_80 = tpu.memref_squeeze %dma_wait3A_79 : memref<1x100000xf32, #tpu.memory_space<hbm>> -> memref<100000xf32, #tpu.memory_space<hbm>>
        %dma_wait3A_81 = arith.constant 0 : i32
        %dma_wait3A_82 = tpu.memref_slice %arg3[%while3A_73, %dma_wait3A_81] : memref<832x100000xf32, #tpu.memory_space<hbm>> -> memref<1x100000xf32, #tpu.memory_space<hbm>>
        %dma_wait3A_83 = tpu.memref_squeeze %dma_wait3A_82 : memref<1x100000xf32, #tpu.memory_space<hbm>> -> memref<100000xf32, #tpu.memory_space<hbm>>
        tpu.wait_dma2 semaphore(%arg8 : memref<!tpu.dma_semaphore, #tpu.memory_space<semaphore_mem>>) src(%dma_wait3A_83 : memref<100000xf32, #tpu.memory_space<hbm>>) dst(%arg5 : memref<100000xf32, #tpu.memory_space<vmem>>)
        %parallel_loop3A = arith.constant 0 : i32
        %parallel_loop3A_84 = arith.constant 4096 : i32
        %parallel_loop3A_85 = arith.constant 16 : i32
        scf.for %parallel_loop3A_199 = %parallel_loop3A to %parallel_loop3A_84 step %parallel_loop3A_85  : i32 {
          %parallel_loop3A_200 = arith.constant 0 : i32
          %parallel_loop3A_201 = arith.addi %parallel_loop3A_200, %parallel_loop3A_199 : i32
          %parallel_loop3A_202 = arith.index_cast %parallel_loop3A_201 : i32 to index
          %parallel_loop3A_203 = tpu.vector_load %arg6[%parallel_loop3A_202] {strides = array<i32>} : memref<16384xi32, #tpu.memory_space<vmem>>, vector<16xi32>,
          %parallel_loop3A_204 = tpu.vector_load_idx %arg5[%parallel_loop3A_203] : memref<100000xf32, #tpu.memory_space<vmem>>[vector<16xi32>], vector<16xf32>,
          %parallel_loop3A_205 = arith.constant 0 : i32
          %parallel_loop3A_206 = arith.index_cast %parallel_loop3A_205 : i32 to index
          %parallel_loop3A_207 = arith.index_cast %parallel_loop3A_199 : i32 to index
          %parallel_loop3A_208 = tpu.vector_load %arg7[%parallel_loop3A_206, %parallel_loop3A_207] {strides = array<i32>} : memref<2x4096xf32, #tpu.memory_space<vmem>>, vector<16xf32>,
          tpu.vector_store %arg7[%parallel_loop3A_206, %parallel_loop3A_207], %parallel_loop3A_204 {strides = array<i32>} : memref<2x4096xf32, #tpu.memory_space<vmem>>, vector<16xf32>,
        } {sc.loop_unroll_factor = 8 : i64, sc.parallel_access}
        %dma_start3A_86 = arith.constant 0 : i32
        %dma_start3A_87 = arith.constant 0 : i32
        %dma_start3A_88 = tpu.memref_slice %arg7[%dma_start3A_86, %dma_start3A_87] : memref<2x4096xf32, #tpu.memory_space<vmem>> -> memref<1x4096xf32, #tpu.memory_space<vmem>>
        %dma_start3A_89 = tpu.memref_squeeze %dma_start3A_88 : memref<1x4096xf32, #tpu.memory_space<vmem>> -> memref<4096xf32, #tpu.memory_space<vmem>>
        %dma_start3A_90 = arith.constant 0 : i32
        %dma_start3A_91 = tpu.memref_slice %arg4[%while3A_73, %dma_start3A_90] : memref<832x16384xf32, #tpu.memory_space<hbm>> -> memref<1x4096xf32, #tpu.memory_space<hbm>>
        %dma_start3A_92 = tpu.memref_squeeze %dma_start3A_91 : memref<1x4096xf32, #tpu.memory_space<hbm>> -> memref<4096xf32, #tpu.memory_space<hbm>>
        %dma_start3A_93 = arith.constant 0 : i32
        %dma_start3A_94 = tpu.memref_slice %arg4[%while3A_73, %dma_start3A_93] : memref<832x16384xf32, #tpu.memory_space<hbm>> -> memref<1x4096xf32, #tpu.memory_space<hbm>>
        %dma_start3A_95 = tpu.memref_squeeze %dma_start3A_94 : memref<1x4096xf32, #tpu.memory_space<hbm>> -> memref<4096xf32, #tpu.memory_space<hbm>>
        %dma_start3A_96 = arith.constant 0 : i32
        %dma_start3A_97 = tpu.memref_slice %arg7[%dma_start3A_86, %dma_start3A_96] : memref<2x4096xf32, #tpu.memory_space<vmem>> -> memref<1x4096xf32, #tpu.memory_space<vmem>>
        %dma_start3A_98 = tpu.memref_squeeze %dma_start3A_97 : memref<1x4096xf32, #tpu.memory_space<vmem>> -> memref<4096xf32, #tpu.memory_space<vmem>>
        tpu.enqueue_dma source(%dma_start3A_98 : memref<4096xf32, #tpu.memory_space<vmem>>) target(%dma_start3A_95 : memref<4096xf32, #tpu.memory_space<hbm>>) target_semaphore(%arg9 : memref<!tpu.dma_semaphore, #tpu.memory_space<semaphore_mem>>)
        %parallel_loop3A_99 = arith.constant 0 : i32
        %parallel_loop3A_100 = arith.constant 4096 : i32
        %parallel_loop3A_101 = arith.constant 16 : i32
        scf.for %parallel_loop3A_199 = %parallel_loop3A_99 to %parallel_loop3A_100 step %parallel_loop3A_101  : i32 {
          %parallel_loop3A_200 = arith.constant 4096 : i32
          %parallel_loop3A_201 = arith.addi %parallel_loop3A_200, %parallel_loop3A_199 : i32
          %parallel_loop3A_202 = arith.index_cast %parallel_loop3A_201 : i32 to index
          %parallel_loop3A_203 = tpu.vector_load %arg6[%parallel_loop3A_202] {strides = array<i32>} : memref<16384xi32, #tpu.memory_space<vmem>>, vector<16xi32>,
          %parallel_loop3A_204 = tpu.vector_load_idx %arg5[%parallel_loop3A_203] : memref<100000xf32, #tpu.memory_space<vmem>>[vector<16xi32>], vector<16xf32>,
          %parallel_loop3A_205 = arith.constant 1 : i32
          %parallel_loop3A_206 = arith.index_cast %parallel_loop3A_205 : i32 to index
          %parallel_loop3A_207 = arith.index_cast %parallel_loop3A_199 : i32 to index
          %parallel_loop3A_208 = tpu.vector_load %arg7[%parallel_loop3A_206, %parallel_loop3A_207] {strides = array<i32>} : memref<2x4096xf32, #tpu.memory_space<vmem>>, vector<16xf32>,
          tpu.vector_store %arg7[%parallel_loop3A_206, %parallel_loop3A_207], %parallel_loop3A_204 {strides = array<i32>} : memref<2x4096xf32, #tpu.memory_space<vmem>>, vector<16xf32>,
        } {sc.loop_unroll_factor = 8 : i64, sc.parallel_access}
        %dma_start3A_102 = arith.constant 1 : i32
        %dma_start3A_103 = arith.constant 0 : i32
        %dma_start3A_104 = tpu.memref_slice %arg7[%dma_start3A_102, %dma_start3A_103] : memref<2x4096xf32, #tpu.memory_space<vmem>> -> memref<1x4096xf32, #tpu.memory_space<vmem>>
        %dma_start3A_105 = tpu.memref_squeeze %dma_start3A_104 : memref<1x4096xf32, #tpu.memory_space<vmem>> -> memref<4096xf32, #tpu.memory_space<vmem>>
        %dma_start3A_106 = arith.constant 4096 : i32
        %dma_start3A_107 = tpu.memref_slice %arg4[%while3A_73, %dma_start3A_106] : memref<832x16384xf32, #tpu.memory_space<hbm>> -> memref<1x4096xf32, #tpu.memory_space<hbm>>
        %dma_start3A_108 = tpu.memref_squeeze %dma_start3A_107 : memref<1x4096xf32, #tpu.memory_space<hbm>> -> memref<4096xf32, #tpu.memory_space<hbm>>
        %dma_start3A_109 = arith.constant 4096 : i32
        %dma_start3A_110 = tpu.memref_slice %arg4[%while3A_73, %dma_start3A_109] : memref<832x16384xf32, #tpu.memory_space<hbm>> -> memref<1x4096xf32, #tpu.memory_space<hbm>>
        %dma_start3A_111 = tpu.memref_squeeze %dma_start3A_110 : memref<1x4096xf32, #tpu.memory_space<hbm>> -> memref<4096xf32, #tpu.memory_space<hbm>>
        %dma_start3A_112 = arith.constant 0 : i32
        %dma_start3A_113 = tpu.memref_slice %arg7[%dma_start3A_102, %dma_start3A_112] : memref<2x4096xf32, #tpu.memory_space<vmem>> -> memref<1x4096xf32, #tpu.memory_space<vmem>>
        %dma_start3A_114 = tpu.memref_squeeze %dma_start3A_113 : memref<1x4096xf32, #tpu.memory_space<vmem>> -> memref<4096xf32, #tpu.memory_space<vmem>>
        tpu.enqueue_dma source(%dma_start3A_114 : memref<4096xf32, #tpu.memory_space<vmem>>) target(%dma_start3A_111 : memref<4096xf32, #tpu.memory_space<hbm>>) target_semaphore(%arg10 : memref<!tpu.dma_semaphore, #tpu.memory_space<semaphore_mem>>)
        %dma_wait3A_115 = arith.constant 0 : i32
        %dma_wait3A_116 = arith.constant 0 : i32
        %dma_wait3A_117 = tpu.memref_slice %arg7[%dma_wait3A_115, %dma_wait3A_116] : memref<2x4096xf32, #tpu.memory_space<vmem>> -> memref<1x4096xf32, #tpu.memory_space<vmem>>
        %dma_wait3A_118 = tpu.memref_squeeze %dma_wait3A_117 : memref<1x4096xf32, #tpu.memory_space<vmem>> -> memref<4096xf32, #tpu.memory_space<vmem>>
        %dma_wait3A_119 = arith.constant 0 : i32
        %dma_wait3A_120 = tpu.memref_slice %arg4[%while3A_73, %dma_wait3A_119] : memref<832x16384xf32, #tpu.memory_space<hbm>> -> memref<1x4096xf32, #tpu.memory_space<hbm>>
        %dma_wait3A_121 = tpu.memref_squeeze %dma_wait3A_120 : memref<1x4096xf32, #tpu.memory_space<hbm>> -> memref<4096xf32, #tpu.memory_space<hbm>>
        %dma_wait3A_122 = arith.constant 0 : i32
        %dma_wait3A_123 = tpu.memref_slice %arg4[%while3A_73, %dma_wait3A_122] : memref<832x16384xf32, #tpu.memory_space<hbm>> -> memref<1x4096xf32, #tpu.memory_space<hbm>>
        %dma_wait3A_124 = tpu.memref_squeeze %dma_wait3A_123 : memref<1x4096xf32, #tpu.memory_space<hbm>> -> memref<4096xf32, #tpu.memory_space<hbm>>
        %dma_wait3A_125 = arith.constant 0 : i32
        %dma_wait3A_126 = tpu.memref_slice %arg7[%dma_wait3A_115, %dma_wait3A_125] : memref<2x4096xf32, #tpu.memory_space<vmem>> -> memref<1x4096xf32, #tpu.memory_space<vmem>>
        %dma_wait3A_127 = tpu.memref_squeeze %dma_wait3A_126 : memref<1x4096xf32, #tpu.memory_space<vmem>> -> memref<4096xf32, #tpu.memory_space<vmem>>
        tpu.wait_dma2 semaphore(%arg9 : memref<!tpu.dma_semaphore, #tpu.memory_space<semaphore_mem>>) src(%dma_wait3A_127 : memref<4096xf32, #tpu.memory_space<vmem>>) dst(%dma_wait3A_124 : memref<4096xf32, #tpu.memory_space<hbm>>)
        %parallel_loop3A_128 = arith.constant 0 : i32
        %parallel_loop3A_129 = arith.constant 4096 : i32
        %parallel_loop3A_130 = arith.constant 16 : i32
        scf.for %parallel_loop3A_199 = %parallel_loop3A_128 to %parallel_loop3A_129 step %parallel_loop3A_130  : i32 {
          %parallel_loop3A_200 = arith.constant 8192 : i32
          %parallel_loop3A_201 = arith.addi %parallel_loop3A_200, %parallel_loop3A_199 : i32
          %parallel_loop3A_202 = arith.index_cast %parallel_loop3A_201 : i32 to index
          %parallel_loop3A_203 = tpu.vector_load %arg6[%parallel_loop3A_202] {strides = array<i32>} : memref<16384xi32, #tpu.memory_space<vmem>>, vector<16xi32>,
          %parallel_loop3A_204 = tpu.vector_load_idx %arg5[%parallel_loop3A_203] : memref<100000xf32, #tpu.memory_space<vmem>>[vector<16xi32>], vector<16xf32>,
          %parallel_loop3A_205 = arith.constant 0 : i32
          %parallel_loop3A_206 = arith.index_cast %parallel_loop3A_205 : i32 to index
          %parallel_loop3A_207 = arith.index_cast %parallel_loop3A_199 : i32 to index
          %parallel_loop3A_208 = tpu.vector_load %arg7[%parallel_loop3A_206, %parallel_loop3A_207] {strides = array<i32>} : memref<2x4096xf32, #tpu.memory_space<vmem>>, vector<16xf32>,
          tpu.vector_store %arg7[%parallel_loop3A_206, %parallel_loop3A_207], %parallel_loop3A_204 {strides = array<i32>} : memref<2x4096xf32, #tpu.memory_space<vmem>>, vector<16xf32>,
        } {sc.loop_unroll_factor = 8 : i64, sc.parallel_access}
        %dma_start3A_131 = arith.constant 0 : i32
        %dma_start3A_132 = arith.constant 0 : i32
        %dma_start3A_133 = tpu.memref_slice %arg7[%dma_start3A_131, %dma_start3A_132] : memref<2x4096xf32, #tpu.memory_space<vmem>> -> memref<1x4096xf32, #tpu.memory_space<vmem>>
        %dma_start3A_134 = tpu.memref_squeeze %dma_start3A_133 : memref<1x4096xf32, #tpu.memory_space<vmem>> -> memref<4096xf32, #tpu.memory_space<vmem>>
        %dma_start3A_135 = arith.constant 8192 : i32
        %dma_start3A_136 = tpu.memref_slice %arg4[%while3A_73, %dma_start3A_135] : memref<832x16384xf32, #tpu.memory_space<hbm>> -> memref<1x4096xf32, #tpu.memory_space<hbm>>
        %dma_start3A_137 = tpu.memref_squeeze %dma_start3A_136 : memref<1x4096xf32, #tpu.memory_space<hbm>> -> memref<4096xf32, #tpu.memory_space<hbm>>
        %dma_start3A_138 = arith.constant 8192 : i32
        %dma_start3A_139 = tpu.memref_slice %arg4[%while3A_73, %dma_start3A_138] : memref<832x16384xf32, #tpu.memory_space<hbm>> -> memref<1x4096xf32, #tpu.memory_space<hbm>>
        %dma_start3A_140 = tpu.memref_squeeze %dma_start3A_139 : memref<1x4096xf32, #tpu.memory_space<hbm>> -> memref<4096xf32, #tpu.memory_space<hbm>>
        %dma_start3A_141 = arith.constant 0 : i32
        %dma_start3A_142 = tpu.memref_slice %arg7[%dma_start3A_131, %dma_start3A_141] : memref<2x4096xf32, #tpu.memory_space<vmem>> -> memref<1x4096xf32, #tpu.memory_space<vmem>>
        %dma_start3A_143 = tpu.memref_squeeze %dma_start3A_142 : memref<1x4096xf32, #tpu.memory_space<vmem>> -> memref<4096xf32, #tpu.memory_space<vmem>>
        tpu.enqueue_dma source(%dma_start3A_143 : memref<4096xf32, #tpu.memory_space<vmem>>) target(%dma_start3A_140 : memref<4096xf32, #tpu.memory_space<hbm>>) target_semaphore(%arg9 : memref<!tpu.dma_semaphore, #tpu.memory_space<semaphore_mem>>)
        %dma_wait3A_144 = arith.constant 1 : i32
        %dma_wait3A_145 = arith.constant 0 : i32
        %dma_wait3A_146 = tpu.memref_slice %arg7[%dma_wait3A_144, %dma_wait3A_145] : memref<2x4096xf32, #tpu.memory_space<vmem>> -> memref<1x4096xf32, #tpu.memory_space<vmem>>
        %dma_wait3A_147 = tpu.memref_squeeze %dma_wait3A_146 : memref<1x4096xf32, #tpu.memory_space<vmem>> -> memref<4096xf32, #tpu.memory_space<vmem>>
        %dma_wait3A_148 = arith.constant 4096 : i32
        %dma_wait3A_149 = tpu.memref_slice %arg4[%while3A_73, %dma_wait3A_148] : memref<832x16384xf32, #tpu.memory_space<hbm>> -> memref<1x4096xf32, #tpu.memory_space<hbm>>
        %dma_wait3A_150 = tpu.memref_squeeze %dma_wait3A_149 : memref<1x4096xf32, #tpu.memory_space<hbm>> -> memref<4096xf32, #tpu.memory_space<hbm>>
        %dma_wait3A_151 = arith.constant 4096 : i32
        %dma_wait3A_152 = tpu.memref_slice %arg4[%while3A_73, %dma_wait3A_151] : memref<832x16384xf32, #tpu.memory_space<hbm>> -> memref<1x4096xf32, #tpu.memory_space<hbm>>
        %dma_wait3A_153 = tpu.memref_squeeze %dma_wait3A_152 : memref<1x4096xf32, #tpu.memory_space<hbm>> -> memref<4096xf32, #tpu.memory_space<hbm>>
        %dma_wait3A_154 = arith.constant 0 : i32
        %dma_wait3A_155 = tpu.memref_slice %arg7[%dma_wait3A_144, %dma_wait3A_154] : memref<2x4096xf32, #tpu.memory_space<vmem>> -> memref<1x4096xf32, #tpu.memory_space<vmem>>
        %dma_wait3A_156 = tpu.memref_squeeze %dma_wait3A_155 : memref<1x4096xf32, #tpu.memory_space<vmem>> -> memref<4096xf32, #tpu.memory_space<vmem>>
        tpu.wait_dma2 semaphore(%arg10 : memref<!tpu.dma_semaphore, #tpu.memory_space<semaphore_mem>>) src(%dma_wait3A_156 : memref<4096xf32, #tpu.memory_space<vmem>>) dst(%dma_wait3A_153 : memref<4096xf32, #tpu.memory_space<hbm>>)
        %parallel_loop3A_157 = arith.constant 0 : i32
        %parallel_loop3A_158 = arith.constant 4096 : i32
        %parallel_loop3A_159 = arith.constant 16 : i32
        scf.for %parallel_loop3A_199 = %parallel_loop3A_157 to %parallel_loop3A_158 step %parallel_loop3A_159  : i32 {
          %parallel_loop3A_200 = arith.constant 12288 : i32
          %parallel_loop3A_201 = arith.addi %parallel_loop3A_200, %parallel_loop3A_199 : i32
          %parallel_loop3A_202 = arith.index_cast %parallel_loop3A_201 : i32 to index
          %parallel_loop3A_203 = tpu.vector_load %arg6[%parallel_loop3A_202] {strides = array<i32>} : memref<16384xi32, #tpu.memory_space<vmem>>, vector<16xi32>,
          %parallel_loop3A_204 = tpu.vector_load_idx %arg5[%parallel_loop3A_203] : memref<100000xf32, #tpu.memory_space<vmem>>[vector<16xi32>], vector<16xf32>,
          %parallel_loop3A_205 = arith.constant 1 : i32
          %parallel_loop3A_206 = arith.index_cast %parallel_loop3A_205 : i32 to index
          %parallel_loop3A_207 = arith.index_cast %parallel_loop3A_199 : i32 to index
          %parallel_loop3A_208 = tpu.vector_load %arg7[%parallel_loop3A_206, %parallel_loop3A_207] {strides = array<i32>} : memref<2x4096xf32, #tpu.memory_space<vmem>>, vector<16xf32>,
          tpu.vector_store %arg7[%parallel_loop3A_206, %parallel_loop3A_207], %parallel_loop3A_204 {strides = array<i32>} : memref<2x4096xf32, #tpu.memory_space<vmem>>, vector<16xf32>,
        } {sc.loop_unroll_factor = 8 : i64, sc.parallel_access}
        %dma_start3A_160 = arith.constant 1 : i32
        %dma_start3A_161 = arith.constant 0 : i32
        %dma_start3A_162 = tpu.memref_slice %arg7[%dma_start3A_160, %dma_start3A_161] : memref<2x4096xf32, #tpu.memory_space<vmem>> -> memref<1x4096xf32, #tpu.memory_space<vmem>>
        %dma_start3A_163 = tpu.memref_squeeze %dma_start3A_162 : memref<1x4096xf32, #tpu.memory_space<vmem>> -> memref<4096xf32, #tpu.memory_space<vmem>>
        %dma_start3A_164 = arith.constant 12288 : i32
        %dma_start3A_165 = tpu.memref_slice %arg4[%while3A_73, %dma_start3A_164] : memref<832x16384xf32, #tpu.memory_space<hbm>> -> memref<1x4096xf32, #tpu.memory_space<hbm>>
        %dma_start3A_166 = tpu.memref_squeeze %dma_start3A_165 : memref<1x4096xf32, #tpu.memory_space<hbm>> -> memref<4096xf32, #tpu.memory_space<hbm>>
        %dma_start3A_167 = arith.constant 12288 : i32
        %dma_start3A_168 = tpu.memref_slice %arg4[%while3A_73, %dma_start3A_167] : memref<832x16384xf32, #tpu.memory_space<hbm>> -> memref<1x4096xf32, #tpu.memory_space<hbm>>
        %dma_start3A_169 = tpu.memref_squeeze %dma_start3A_168 : memref<1x4096xf32, #tpu.memory_space<hbm>> -> memref<4096xf32, #tpu.memory_space<hbm>>
        %dma_start3A_170 = arith.constant 0 : i32
        %dma_start3A_171 = tpu.memref_slice %arg7[%dma_start3A_160, %dma_start3A_170] : memref<2x4096xf32, #tpu.memory_space<vmem>> -> memref<1x4096xf32, #tpu.memory_space<vmem>>
        %dma_start3A_172 = tpu.memref_squeeze %dma_start3A_171 : memref<1x4096xf32, #tpu.memory_space<vmem>> -> memref<4096xf32, #tpu.memory_space<vmem>>
        tpu.enqueue_dma source(%dma_start3A_172 : memref<4096xf32, #tpu.memory_space<vmem>>) target(%dma_start3A_169 : memref<4096xf32, #tpu.memory_space<hbm>>) target_semaphore(%arg10 : memref<!tpu.dma_semaphore, #tpu.memory_space<semaphore_mem>>)
        %dma_wait3A_173 = arith.constant 0 : i32
        %dma_wait3A_174 = arith.constant 0 : i32
        %dma_wait3A_175 = tpu.memref_slice %arg7[%dma_wait3A_173, %dma_wait3A_174] : memref<2x4096xf32, #tpu.memory_space<vmem>> -> memref<1x4096xf32, #tpu.memory_space<vmem>>
        %dma_wait3A_176 = tpu.memref_squeeze %dma_wait3A_175 : memref<1x4096xf32, #tpu.memory_space<vmem>> -> memref<4096xf32, #tpu.memory_space<vmem>>
        %dma_wait3A_177 = arith.constant 8192 : i32
        %dma_wait3A_178 = tpu.memref_slice %arg4[%while3A_73, %dma_wait3A_177] : memref<832x16384xf32, #tpu.memory_space<hbm>> -> memref<1x4096xf32, #tpu.memory_space<hbm>>
        %dma_wait3A_179 = tpu.memref_squeeze %dma_wait3A_178 : memref<1x4096xf32, #tpu.memory_space<hbm>> -> memref<4096xf32, #tpu.memory_space<hbm>>
        %dma_wait3A_180 = arith.constant 8192 : i32
        %dma_wait3A_181 = tpu.memref_slice %arg4[%while3A_73, %dma_wait3A_180] : memref<832x16384xf32, #tpu.memory_space<hbm>> -> memref<1x4096xf32, #tpu.memory_space<hbm>>
        %dma_wait3A_182 = tpu.memref_squeeze %dma_wait3A_181 : memref<1x4096xf32, #tpu.memory_space<hbm>> -> memref<4096xf32, #tpu.memory_space<hbm>>
        %dma_wait3A_183 = arith.constant 0 : i32
        %dma_wait3A_184 = tpu.memref_slice %arg7[%dma_wait3A_173, %dma_wait3A_183] : memref<2x4096xf32, #tpu.memory_space<vmem>> -> memref<1x4096xf32, #tpu.memory_space<vmem>>
        %dma_wait3A_185 = tpu.memref_squeeze %dma_wait3A_184 : memref<1x4096xf32, #tpu.memory_space<vmem>> -> memref<4096xf32, #tpu.memory_space<vmem>>
        tpu.wait_dma2 semaphore(%arg9 : memref<!tpu.dma_semaphore, #tpu.memory_space<semaphore_mem>>) src(%dma_wait3A_185 : memref<4096xf32, #tpu.memory_space<vmem>>) dst(%dma_wait3A_182 : memref<4096xf32, #tpu.memory_space<hbm>>)
        %dma_wait3A_186 = arith.constant 1 : i32
        %dma_wait3A_187 = arith.constant 0 : i32
        %dma_wait3A_188 = tpu.memref_slice %arg7[%dma_wait3A_186, %dma_wait3A_187] : memref<2x4096xf32, #tpu.memory_space<vmem>> -> memref<1x4096xf32, #tpu.memory_space<vmem>>
        %dma_wait3A_189 = tpu.memref_squeeze %dma_wait3A_188 : memref<1x4096xf32, #tpu.memory_space<vmem>> -> memref<4096xf32, #tpu.memory_space<vmem>>
        %dma_wait3A_190 = arith.constant 12288 : i32
        %dma_wait3A_191 = tpu.memref_slice %arg4[%while3A_73, %dma_wait3A_190] : memref<832x16384xf32, #tpu.memory_space<hbm>> -> memref<1x4096xf32, #tpu.memory_space<hbm>>
        %dma_wait3A_192 = tpu.memref_squeeze %dma_wait3A_191 : memref<1x4096xf32, #tpu.memory_space<hbm>> -> memref<4096xf32, #tpu.memory_space<hbm>>
        %dma_wait3A_193 = arith.constant 12288 : i32
        %dma_wait3A_194 = tpu.memref_slice %arg4[%while3A_73, %dma_wait3A_193] : memref<832x16384xf32, #tpu.memory_space<hbm>> -> memref<1x4096xf32, #tpu.memory_space<hbm>>
        %dma_wait3A_195 = tpu.memref_squeeze %dma_wait3A_194 : memref<1x4096xf32, #tpu.memory_space<hbm>> -> memref<4096xf32, #tpu.memory_space<hbm>>
        %dma_wait3A_196 = arith.constant 0 : i32
        %dma_wait3A_197 = tpu.memref_slice %arg7[%dma_wait3A_186, %dma_wait3A_196] : memref<2x4096xf32, #tpu.memory_space<vmem>> -> memref<1x4096xf32, #tpu.memory_space<vmem>>
        %dma_wait3A_198 = tpu.memref_squeeze %dma_wait3A_197 : memref<1x4096xf32, #tpu.memory_space<vmem>> -> memref<4096xf32, #tpu.memory_space<vmem>>
        tpu.wait_dma2 semaphore(%arg10 : memref<!tpu.dma_semaphore, #tpu.memory_space<semaphore_mem>>) src(%dma_wait3A_198 : memref<4096xf32, #tpu.memory_space<vmem>>) dst(%dma_wait3A_195 : memref<4096xf32, #tpu.memory_space<hbm>>)
      }
    }
    return
  }
}

</mosaic_0001>

<sc_bundles>
// kernel: kernel.3.cloned.1.call-start
scs
__scs_entry_jumppad:
0x0: {  	(pc) =	sbr.rel $0x88, $3  }
0x1: {  	(tag) =	ssettag $0x0;
	lr =	simm.s32 $0x1  }
0x2: {  	[smem:$0x3F9F] =	sst lr;
	_ =	strace $0xD0000000  }
0x3: {  	_ = 	snop  }
0x4: {  	_ = 	snop  }
0x5: {  	_ = 	snop  }
0x6: {  	_ = 	snop  }
0x7: {  	_ = 	snop  }
__scs_overlays_trampoline_lowered:
0x8: {  	[smem:$0x3FAE] =	sst s0  }
0x9: {  	[smem:$0x3FAF] =	sst s1  }
0xa: {  	[smem:$0x3FB0] =	sst s2  }
0xb: {  	[smem:$0x3FB1] =	sst s3  }
0xc: {  	[smem:$0x3FB2] =	sst s4  }
0xd: {  	[smem:$0x3FB3] =	sst s5  }
0xe: {  	[smem:$0x3FB4] =	sst s6  }
0xf: {  	[smem:$0x3FB5] =	sst s7  }
0x10: {  	[smem:$0x3FB6] =	sst s8  }
0x11: {  	[smem:$0x3FB7] =	sst s9;
	s0 =	simm.s32 @!p0 $0x0  }
0x12: {  	s1 =	sld [smem:$0x3F9D];
	s0 =	simm.s32 @p0 $0x1  }
0x13: {  	[smem:$0x3FB8] =	sst s0;
	s0 =	simm.s32 @!p1 $0x0  }
0x14: {  	s2 =	sld [smem:$0x3F9C];
	s0 =	simm.s32 @p1 $0x1  }
0x15: {  	[smem:$0x3FB9] =	sst s0;
	s0 =	simm.s32 @!p2 $0x0  }
0x16: {  	s3 =	sld [smem:$0x3FDB];
	s0 =	simm.s32 @p2 $0x1  }
0x17: {  	s4 =	simm.s32 $0x1BF5;
	[smem:$0x3FBB] =	sst s0  }
0x18: {  	s0 =	sld [smem:$0x3F9E];
	_ =	swait.ge [sflag:s4], $0x0  }
0x19: {  	s7 =	sld [smem:$0x3F9F]  }
0x1a: {  	s8 =	sadd.s32 $0xFFFFE003, lr  }
0x1b: {  	s9 =	sadd.s32 $0xFFFFFEF7, lr;
	s5 =	simm.s32 $0xFFFFFFFF;
	p2 =	slt.u32 s8, $0xFFFFF086  }
0x1c: {  	p1 =	slt.u32 s9, $0xF7A;
	s5 =	simm.s32 @!p2 $0x0  }
0x1d: {  	s5 =	simm.s32 @p1 $0x1;
	p0 =	seq.s32 s7, s2  }
0x1e: {  	s7 =	smul.u32 @!p0 $0xF7A, s2;
	p2 =	seq.s32 @!p0 s5, $0x0  }
0x1f: {  	s9 =	smul.u32 $0xF7A, s1;
	s8 =	simm.s32 @!p0 $0x1BF5;
	p2 =	por !p2, p0  }
0x20: {  	[sflag:s8] =	ssyncset.s32 @!p0 $0xFFFFF086;
	s6 =	sadd.s32 @!p0 s3, s7;
	s7 =	simm.s32 @!p0 $0x108  }
0x21: {  	s3 =	sadd.s32 s3, s9;
	s6 =	sadd.s32 @!p0 $0x88, s6;
	s7 =	simm.s32 @p2 $0x1082  }
0x22: {  	[simem:s7], [sflag:s8] =	dma.local @!p0 [hbm:s6], $0xF7A  }
0x23: {  	s9 =	sor.u32 $0xD0000000, s2;
	s6 =	simm.s32 $0x108;
	_ =	swait.ge @!p0 [sflag:s8], $0x0  }
0x24: {  	s3 =	sadd.s32 $0x88, s3;
	s6 =	simm.s32 @!p1 $0x1082;
	[sflag:s4] =	ssyncset.s32 $0xFFFFF086  }
0x25: {  	[simem:s6], [sflag:s4] =	dma.local [hbm:s3], $0xF7A  }
0x26: {  	[smem:$0x3F9F] =	sst s1;
	(tag) =	ssettag s2;
	_ =	strace s9  }
0x27: {  	s1 =	sld [smem:$0x3FAF]  }
0x28: {  	s2 =	sld [smem:$0x3FB0]  }
0x29: {  	s4 =	sld [smem:$0x3FB2]  }
0x2a: {  	p0 =	seq.s32 s5, $0x0;
	s5 =	sld [smem:$0x3FB3]  }
0x2b: {  	s6 =	sld [smem:$0x3FB4]  }
0x2c: {  	s7 =	sld [smem:$0x3FB5]  }
0x2d: {  	s3 =	simm.s32 $0x108;
	s8 =	sld [smem:$0x3FB6]  }
0x2e: {  	s3 =	simm.s32 @!p0 $0x1082;
	s9 =	sld [smem:$0x3FB7]  }
0x2f: {  	lr =	sadd.s32 s0, s3;
	s0 =	sld [smem:$0x3FAE]  }
0x30: {  	s3 =	sld [smem:$0x3FB1]  }
0x31: {  	[smem:$0x3FBA] =	sst s10  }
0x32: {  	s10 =	sld [smem:$0x3FB8];
	_ =	sdelay $0x3  }
0x33: {  	p0 =	seq.s32 s10, $0x1;
	s10 =	sld [smem:$0x3FBA];
	_ =	sdelay $0x3  }
0x34: {  	[smem:$0x3FBA] =	sst s10  }
0x35: {  	s10 =	sld [smem:$0x3FB9];
	_ =	sdelay $0x3  }
0x36: {  	p1 =	seq.s32 s10, $0x1;
	s10 =	sld [smem:$0x3FBA];
	_ =	sdelay $0x3  }
0x37: {  	[smem:$0x3FBA] =	sst s10  }
0x38: {  	s10 =	sld [smem:$0x3FBB]  }
0x39: {  	_ = 	snop;
	(pc) =	sbr.ind lr, $3  }
0x3a: {  	_ = 	snop  }
0x3b: {  	_ = 	snop  }
0x3c: {  	p2 =	seq.s32 s10, $0x1;
	s10 =	sld [smem:$0x3FBA]  }
0x3d: {  	_ =	shalt  }
0x3e: {  	_ =	shalt  }
0x3f: {  	_ =	shalt  }
0x40: {  	_ =	shalt  }
0x41: {  	_ =	shalt  }
0x42: {  	_ =	shalt  }
0x43: {  	_ =	shalt  }
0x44: {  	_ =	shalt  }
0x45: {  	_ =	shalt  }
0x46: {  	_ =	shalt  }
0x47: {  	_ =	shalt  }
0x48: {  	_ =	shalt  }
0x49: {  	_ =	shalt  }
0x4a: {  	_ =	shalt  }
0x4b: {  	_ =	shalt  }
0x4c: {  	_ =	shalt  }
0x4d: {  	_ =	shalt  }
0x4e: {  	_ =	shalt  }
0x4f: {  	_ =	shalt  }
0x50: {  	_ =	shalt  }
0x51: {  	_ =	shalt  }
0x52: {  	_ =	shalt  }
0x53: {  	_ =	shalt  }
0x54: {  	_ =	shalt  }
0x55: {  	_ =	shalt  }
0x56: {  	_ =	shalt  }
0x57: {  	_ =	shalt  }
0x58: {  	_ =	shalt  }
0x59: {  	_ =	shalt  }
0x5a: {  	_ =	shalt  }
0x5b: {  	_ =	shalt  }
0x5c: {  	_ =	shalt  }
0x5d: {  	_ =	shalt  }
0x5e: {  	_ =	shalt  }
0x5f: {  	_ =	shalt  }
0x60: {  	_ =	shalt  }
0x61: {  	_ =	shalt  }
0x62: {  	_ =	shalt  }
0x63: {  	_ =	shalt  }
0x64: {  	_ =	shalt  }
0x65: {  	_ =	shalt  }
0x66: {  	_ =	shalt  }
0x67: {  	_ =	shalt  }
0x68: {  	_ =	shalt  }
0x69: {  	_ =	shalt  }
0x6a: {  	_ =	shalt  }
0x6b: {  	_ =	shalt  }
0x6c: {  	_ =	shalt  }
0x6d: {  	_ =	shalt  }
0x6e: {  	_ =	shalt  }
0x6f: {  	_ =	shalt  }
0x70: {  	_ =	shalt  }
0x71: {  	_ =	shalt  }
0x72: {  	_ =	shalt  }
0x73: {  	_ =	shalt  }
0x74: {  	_ =	shalt  }
0x75: {  	_ =	shalt  }
0x76: {  	_ =	shalt  }
0x77: {  	_ =	shalt  }
0x78: {  	_ =	shalt  }
0x79: {  	_ =	shalt  }
0x7a: {  	_ =	shalt  }
0x7b: {  	_ =	shalt  }
0x7c: {  	_ =	shalt  }
0x7d: {  	_ =	shalt  }
0x7e: {  	_ =	shalt  }
0x7f: {  	_ =	shalt  }
0x80: {  	_ =	shalt  }
0x81: {  	_ =	shalt  }
0x82: {  	_ =	shalt  }
0x83: {  	_ =	shalt  }
0x84: {  	_ =	shalt  }
0x85: {  	_ =	shalt  }
0x86: {  	_ =	shalt  }
0x87: {  	_ =	shalt  }
.Lfunc_end0:
.L_simem_size_0:
called_computation_lowered:
.L_overlay_start_0:
0x88: {  	s2 =	sld [smem:$0x3FD9]  }
0x89: {  	s3 =	sld [smem:$0x3FFE];
	_ =	sdelay $0x1  }
0x8a: {  	s1 =	srdreg.scid  }
0x8b: {  	s0 =	sand.u32 $0x1, s1  }
0x8c: {  	s18 =	sshll.u32 s0, $0xA;
	s2 =	sadd.s32 s3, s2  }
0x8d: {  	s2 =	sadd.s32 s2, s18  }
0x8e: {  	[smem:$0x3FC6] =	sst s2  }
0x8f: {  	_ = 	snop  }
0x90: {  	s2 =	sld [smem:$0x3FC9]  }
0x91: {  	s19 =	sld [smem:$0x3FC8]  }
0x92: {  	s4 =	sld [smem:$0x3FD0];
	(tm) =	ssettm $0x1  }
0x93: {  	s5 =	sld [smem:$0x3FFB];
	_ =	sdelay $0x3  }
0x94: {  	_ =	strace s5  }
0x95: {  	s5 =	sld [smem:$0x3FFC];
	_ =	sdelay $0x3  }
0x96: {  	_ =	strace s5  }
0x97: {  	s5 =	sld [smem:$0x3FFD];
	_ =	sdelay $0x3  }
0x98: {  	_ =	strace s5  }
0x99: {  	_ =	strace $0x8FFFFFFF  }
0x9a: {  	s20 =	sld [smem:$0x3FDB];
	_ =	sdelay $0x1  }
0x9b: {  	s6 =	simm.s32 $_scs_section_size  }
0x9c: {  	s7 =	simm.s32 $_size__tile_overlayer_lowered;
	s8 =	simm.s32 $_tile_overlayer_lowered  }
0x9d: {  	s23 =	simm.s32 $0x1BFF;
	s22 =	sshll.u32 s8, $0x1;
	s5 =	sadd.s32 s6, s20  }
0x9e: {  	s9 =	simm.s32 $0x0;
	s21 =	sshll.u32 s7, $0x1;
	s7 =	sadd.s32 s22, s5  }
0x9f: {  	[timem:s9], [sflag:s23] =	dma.local [hbm:s7], s21  }
0xa0: {  	_ =	swait.ge [sflag:s23], s21  }
0xa1: {  	s6 =	ssub.s32 $0x0, s21;
	[sflag:s23] =	ssyncset.done $0x0  }
0xa2: {  	[sflag:s23] =	ssyncadd.s32 s6;
	_ =	sdelay $0x1  }
0xa3: {  	s24 =	simm.s32 $0x1B8B  }
0xa4: {  	_ =	swait.ge [sflag:s24], $0x1  }
0xa5: {  	[sflag:s24] =	ssyncset.done $0x0  }
0xa6: {  	s25 =	simm.s32 $0x1B8E;
	[sflag:s24] =	ssyncadd.s32 $0xFFFFFFFF  }
0xa7: {  	s26 =	simm.s32 $execute0_lowered;
	[smem:$0x3FD2] =	sst s25  }
0xa8: {  	s6 =	sshll.u32 s26, $0x1;
	_ =	strace $0x80000046;
	[dreg:$0x1] =	wrdreg $0xFFFFFFFF  }
0xa9: {  	s28 =	simm.s32 $_size_execute0_lowered;
	s5 =	sadd.s32 s5, s6;
	[dreg:$0x0] =	wrdreg $0x0  }
0xaa: {  	s6 =	sshll.u32 s28, $0x1;
	[dreg:$0x2] =	wrdreg s5  }
0xab: {  	[dreg:$0x3] =	wrdreg s6  }
0xac: {  	[dreg:$0x4] =	wrdreg $0xC0  }
0xad: {  	_ =	task [dreg:s9], $0x5FFFF  }
0xae: {  	[dreg:$0x1] =	wrdreg $0xFFFFFFFF  }
0xaf: {  	[dreg:$0x0] =	wrdreg $0x60  }
0xb0: {  	[dreg:$0x2] =	wrdreg s2  }
0xb1: {  	[dreg:$0x3] =	wrdreg s19  }
0xb2: {  	[dreg:$0x4] =	wrdreg s4  }
0xb3: {  	[dreg:$0x5] =	wrdreg $0x9  }
0xb4: {  	_ =	task.clear_ibuf [dreg:s9], $0x6FFFF;
	_ =	strace $0x90000046  }
0xb5: {  	s29 =	simm.s32 $0x9;
	_ =	strace $0x80000048  }
0xb6: {  	_ =	swait.ge [sflag:s29], $0x1  }
0xb7: {  	[sflag:s29] =	ssyncadd.s32 $0xFFFFFFFF  }
0xb8: {  	_ =	strace $0x90000048  }
0xb9: {  	_ =	sfence  }
0xba: {  	s30 =	sld [smem:$0x0];
	_ =	sdelay $0x2  }
0xbb: {  	s31 =	sshll.u32 s1, $0xD;
	s1 =	sshrl.u32 s1, $0x2  }
0xbc: {  	s3 =	sand.u32 $0x4000, s31;
	s1 =	sadd.s32 s1, s30  }
0xbd: {  	s0 =	sor.u32 s3, s0;
	s1 =	sshll.u32 s1, $0x11  }
0xbe: {  	s0 =	sor.u32 s1, s0  }
0xbf: {  	s0 =	sadd.s32 $0x8F2B, s0  }
0xc0: {  	[sflag:s0] =	ssyncadd.remote.s32 $0x1  }
0xc1: {  	_ =	sfence.sel $0xFFFF  }
0xc2: {  	[dreg:$0x0] =	wrdreg $0xFFFFFFFF;
	(pc) =	sbr.abs _section_cstart, $3  }
0xc3: {  	[dreg:$0x1] =	wrdreg $0xFFFFFFFF  }
0xc4: {  	_ =	task.clear_ibuf [dreg:s9], $0x2FFFF;
	_ =	strace $0x9FFFFFFF  }
0xc5: {  	(tm) =	ssettm $0x7FFFFFFF  }
tec
execute0_lowered:
.L_overlay_start_1:
0x0: {  	(tag) =	ssettag $0x1  }
0x1: {  	s1 =	srdreg.scid;
	s0 =	stileid.u32  }
0x2: {  	s9 =	sand.u32 $0x1, s1;
	s31 =	sshll.u32 s0, $0x1  }
0x3: {  	s1 =	sor.u32 s9, s31  }
0x4: {  	s4 =	smul.u32 $0x1A, s1;
	_ =	sdelay $0x1  }
0x5: {  	s1 =	sadd.s32 $0x18, s4  }
0x6: {  	s7 =	sshrl.u32 s4, $0x5;
	s8 =	sshrl.u32 s1, $0x5  }
0x7: {  	p0 =	sgt.u32 s7, s8  }
.Ltmp0:
0x8: {  	_ = 	snop;
	(pc) =	sbr.rel @!p0 .LBB2_1-.Ltmp0, $4  }
0x9: {  	s2 =	rddreg [dreg:$0x0]  }
0xa: {  	s3 =	rddreg [dreg:$0x1];
	s6 =	simm.s32 $0x0  }
0xb: {  	[smem:$0x7FF] =	sst s6  }
0xc: {  	s5 =	rddreg [dreg:$0x2];
	_ =	strace $0x80000047  }
.LBB2_23:
0xd: {  	_ =	sfence.sel $0x180000  }
0xe: {  	[bflag:$0x0] =	sbarrier.arrive $0xFFFF  }
0xf: {  	_ =	strace $0x90000047  }
0x10: {  	[bflag:$0x2] =	sbarrier.arrive $0xFFFF  }
0x11: {  	p0 =	sne.s32 s0, $0x0;
	s0 =	rddreg [dreg:$0x3]  }
0x12: {  	s0 =	sadd.s32 @!p0 $0x100000, s0  }
0x13: {  	[sflag:s0] =	ssyncadd.tile.s32 @!p0 $0x1;
	_ =	shalt  }
.LBB2_1:
0x14: {  	s1 =	ssub.s32 $0x2, s9;
	s9 =	sadd.s32 $0x1A, s4  }
.Ltmp1:
0x15: {  	s10 =	sadd.s32 $0x1000, s5;
	s11 =	sadd.s32 $0x2000, s5;
	(pc) =	sbr.rel .LBB2_2-.Ltmp1, $4  }
0x16: {  	s12 =	sadd.s32 $0x3000, s5;
	s14 =	simm.s32 $0x80;
	s15 =	simm.s32 $0x400  }
0x17: {  	s16 =	simm.s32 $0x18700;
	s17 =	simm.s32 $0x4;
	s13 =	sshrl.u32 s1, $0x1  }
0x18: {  	s18 =	simm.s32 $0x1;
	s19 =	simm.s32 $0x2;
	s1 =	ssub.s32 s1, s13  }
0x19: {  	s20 =	simm.s32 $0x3;
	s21 =	simm.s32 $0x0;
	s13 =	smax.u32 s1, $0x1  }
.LBB2_22:
0x1a: {  	s21 =	sadd.s32 $0x1, s21  }
0x1b: {  	p0 =	sne.s32 s21, s13  }
.Ltmp2:
0x1c: {  	_ = 	snop;
	(pc) =	sbr.rel @!p0 .LBB2_23-.Ltmp2, $1  }
0x1d: {  	_ =	sdelay $0x3  }
.LBB2_2:
.Ltmp3:
0x1e: {  	(pc) =	sbr.rel .LBB2_4-.Ltmp3, $2  }
0x1f: {  	_ =	sdelay $0x2  }
0x20: {  	s23 =	smov.u32 s7  }
.LBB2_3:
0x21: {  	p0 =	seq.s32 s22, s8  }
.Ltmp4:
0x22: {  	_ = 	snop;
	(pc) =	sbr.rel @p0 .LBB2_22-.Ltmp4, $1  }
0x23: {  	_ =	sdelay $0x3  }
.LBB2_4:
0x24: {  	s1 =	sshll.u32 s23, $0xE;
	s30 =	sshll.u32 s23, $0x7  }
0x25: {  	s22 =	smov.u32 s23;
	s1 =	sand.u32 $0x7FFE0000, s1;
	s23 =	sand.u32 $0x380, s30  }
0x26: {  	s24 =	sshll.u32 s22, $0x5;
	s1 =	sor.u32 s23, s1;
	s23 =	sadd.s32 $0x1, s22  }
0x27: {  	p0 =	sgt.s32 s4, s24;
	s31 =	sshll.u32 s23, $0x5  }
0x28: {  	s24 =	smov.u32 @p0 s4;
	s25 =	smin.u32 s9, s31  }
0x29: {  	s1 =	sshrl.u32 s1, $0x3;
	p0 =	sge.u32 s24, s25  }
.Ltmp5:
0x2a: {  	s1 =	sadd.s32 s2, s1;
	(pc) =	sbr.rel @p0 .LBB2_3-.Ltmp5, $4  }
0x2b: {  	[tilespmem:s16], [sflag:$0x4] =	stream.strided.gather [hbm4b:s1+s14], $0x4000, s15, s14, $0x38;
	[tilespmem:$0x1E700] =	vst v63  }
0x2c: {  	_ =	swait.ge [sflag:s17], $0x4000  }
0x2d: {  	[sflag:s17] =	ssyncset.done $0x0  }
0x2e: {  	[sflag:s17] =	ssyncadd.s32 $0xFFFFC000  }
.LBB2_5:
0x2f: {  	s26 =	sshrl.u32 s24, $0x3  }
0x30: {  	s1 =	sshll.u32 s24, $0x7;
	s29 =	smul.u32 $0xC3800, s26  }
0x31: {  	s28 =	sand.u32 $0x380, s1  }
0x32: {  	s1 =	sor.u32 s28, s29  }
0x33: {  	s1 =	sshrl.u32 s1, $0x3  }
0x34: {  	s1 =	sadd.s32 s3, s1  }
0x35: {  	[tilespmem:s6], [sflag:$0x1] =	stream.strided.gather [hbm4b:s1+s14], $0x18700, s15, s14, $0x38;
	[tilespmem:$0x1E700] =	vst v63  }
0x36: {  	_ =	swait.ge [sflag:s18], $0x18700  }
0x37: {  	[sflag:s18] =	ssyncset.done $0x0  }
0x38: {  	s1 =	simm.s32 $0x18740;
	[sflag:s18] =	ssyncadd.s32 $0xFFFE7900  }
0x39: {  	v0 =	vld [tilespmem:s1+$0x30]  }
0x3a: {  	v1 =	vld [tilespmem:s1+$0xFFFFFFD0]  }
0x3b: {  	v2 =	vld [tilespmem:s1+$0xFFFFFFE0]  }
0x3c: {  	v3 =	vld [tilespmem:s1+$0xFFFFFFF0]  }
0x3d: {  	v6 =	vld [tilespmem:s1+$0x0]  }
0x3e: {  	v7 =	vld [tilespmem:s1+$0x10]  }
0x3f: {  	v8 =	vld [tilespmem:s1+$0x20]  }
0x40: {  	v9 =	vld [tilespmem:s1+$0xFFFFFFC0]  }
0x41: {  	v10 =	vld.idx.msk [tilespmem:v0+s6+$0x0], $0xffff  }
0x42: {  	v11 =	vld.idx.msk [tilespmem:v1+s6+$0x0], $0xffff  }
0x43: {  	v5 =	vld.idx.msk [tilespmem:v2+s6+$0x0], $0xffff  }
0x44: {  	v4 =	vld.idx.msk [tilespmem:v3+s6+$0x0], $0xffff  }
0x45: {  	v3 =	vld.idx.msk [tilespmem:v6+s6+$0x0], $0xffff  }
0x46: {  	s29 =	simm.s32 $0x1C740;
	v1 =	vld.idx.msk [tilespmem:v7+s6+$0x0], $0xffff  }
0x47: {  	v0 =	vld.idx.msk [tilespmem:v8+s6+$0x0], $0xffff;
	[tilespmem:s29+$0x30] =	vst v10  }
0x48: {  	s30 =	simm.s32 $0x0;
	s31 =	simm.s32 $0x187C0;
	v2 =	vld.idx.msk [tilespmem:v9+s6+$0x0], $0xffff;
	[tilespmem:s29+$0xFFFFFFD0] =	vst v11  }
.LBB2_6:
0x49: {  	v6 =	vld [tilespmem:s31+$0x30];
	s30 =	sadd.s32 $0x80, s30;
	[tilespmem:s29+$0xFFFFFFE0] =	vst v5  }
0x4a: {  	v5 =	vld [tilespmem:s31+$0xFFFFFFD0];
	p0 =	slt.u32 s30, $0xF80;
	[tilespmem:s29+$0xFFFFFFF0] =	vst v4  }
0x4b: {  	v4 =	vld [tilespmem:s31+$0xFFFFFFE0];
	[tilespmem:s29+$0x0] =	vst v3  }
0x4c: {  	v3 =	vld [tilespmem:s31+$0xFFFFFFF0];
	[tilespmem:s29+$0x10] =	vst v1  }
0x4d: {  	v1 =	vld [tilespmem:s31+$0x0];
	[tilespmem:s29+$0x20] =	vst v0  }
0x4e: {  	v0 =	vld [tilespmem:s31+$0x10];
	[tilespmem:s29+$0xFFFFFFC0] =	vst v2  }
0x4f: {  	v2 =	vld [tilespmem:s31+$0x20]  }
0x50: {  	v7 =	vld [tilespmem:s31+$0xFFFFFFC0]  }
0x51: {  	v6 =	vld.idx.msk [tilespmem:v6+s6+$0x0], $0xffff  }
0x52: {  	v8 =	vld.idx.msk [tilespmem:v5+s6+$0x0], $0xffff  }
0x53: {  	v5 =	vld.idx.msk [tilespmem:v4+s6+$0x0], $0xffff  }
.Ltmp6:
0x54: {  	v4 =	vld.idx.msk [tilespmem:v3+s6+$0x0], $0xffff;
	(pc) =	sbr.rel @p0 .LBB2_6-.Ltmp6, $4  }
0x55: {  	v3 =	vld.idx.msk [tilespmem:v1+s6+$0x0], $0xffff  }
0x56: {  	s29 =	sadd.s32 $0x100, s29;
	v1 =	vld.idx.msk [tilespmem:v0+s6+$0x0], $0xffff  }
0x57: {  	v0 =	vld.idx.msk [tilespmem:v2+s6+$0x0], $0xffff;
	[tilespmem:s29+$0x30] =	vst v6  }
0x58: {  	s31 =	sadd.s32 $0x80, s31;
	v2 =	vld.idx.msk [tilespmem:v7+s6+$0x0], $0xffff;
	[tilespmem:s29+$0xFFFFFFD0] =	vst v8  }
0x59: {  	[tilespmem:s29+$0xFFFFFFE0] =	vst v5  }
0x5a: {  	[tilespmem:s29+$0xFFFFFFF0] =	vst v4  }
0x5b: {  	s1 =	sshll.u32 s26, $0x11;
	[tilespmem:s29+$0x0] =	vst v3  }
0x5c: {  	s1 =	sor.u32 s28, s1;
	[tilespmem:s29+$0x10] =	vst v1  }
0x5d: {  	s26 =	sshrl.u32 s1, $0x3;
	[tilespmem:s29+$0x20] =	vst v0  }
0x5e: {  	s1 =	simm.s32 $0x0;
	s28 =	sadd.s32 s5, s26;
	[tilespmem:s29+$0xFFFFFFC0] =	vst v2;
	s29 =	simm.s32 $0x1C700  }
.LBB2_8:
0x5f: {  	p0 =	sne.s32 s1, $0xF80  }
.Ltmp7:
0x60: {  	_ = 	snop;
	(pc) =	sbr.rel @p0 .LBB2_8-.Ltmp7, $4  }
0x61: {  	_ = 	snop  }
0x62: {  	s30 =	sadd.s32 s1, s28  }
0x63: {  	[hbm4b:s30+s6] =	stream.linear.scatter [tilespmem:s29], [sflag:$0x2], $0x80, $0x38;
	[tilespmem:$0x1E700] =	vst v63  }
0x64: {  	s1 =	sadd.s32 $0x80, s1;
	s29 =	sadd.s32 $0x100, s29  }
0x65: {  	s1 =	simm.s32 $0x19770  }
0x66: {  	v0 =	vld [tilespmem:s1+$0x0]  }
0x67: {  	v1 =	vld [tilespmem:s1+$0xFFFFFFA0]  }
0x68: {  	v2 =	vld [tilespmem:s1+$0xFFFFFFB0]  }
0x69: {  	v3 =	vld [tilespmem:s1+$0xFFFFFFC0]  }
0x6a: {  	v6 =	vld [tilespmem:s1+$0xFFFFFFD0]  }
0x6b: {  	v7 =	vld [tilespmem:s1+$0xFFFFFFE0]  }
0x6c: {  	v8 =	vld [tilespmem:s1+$0xFFFFFFF0]  }
0x6d: {  	v9 =	vld [tilespmem:s1+$0xFFFFFF90]  }
0x6e: {  	v10 =	vld.idx.msk [tilespmem:v0+s6+$0x0], $0xffff  }
0x6f: {  	v11 =	vld.idx.msk [tilespmem:v1+s6+$0x0], $0xffff  }
0x70: {  	v5 =	vld.idx.msk [tilespmem:v2+s6+$0x0], $0xffff  }
0x71: {  	v4 =	vld.idx.msk [tilespmem:v3+s6+$0x0], $0xffff  }
0x72: {  	v0 =	vld.idx.msk [tilespmem:v6+s6+$0x0], $0xffff  }
0x73: {  	s28 =	simm.s32 $0x1C7F0;
	v1 =	vld.idx.msk [tilespmem:v7+s6+$0x0], $0xffff  }
0x74: {  	v2 =	vld.idx.msk [tilespmem:v8+s6+$0x0], $0xffff;
	[tilespmem:s28+$0x0] =	vst v10  }
0x75: {  	s29 =	simm.s32 $0x0;
	s30 =	simm.s32 $0x197F0;
	v3 =	vld.idx.msk [tilespmem:v9+s6+$0x0], $0xffff;
	[tilespmem:s28+$0xFFFFFFA0] =	vst v11  }
.LBB2_10:
0x76: {  	v6 =	vld [tilespmem:s30+$0x0];
	s29 =	sadd.s32 $0x80, s29;
	[tilespmem:s28+$0xFFFFFFB0] =	vst v5  }
0x77: {  	v5 =	vld [tilespmem:s30+$0xFFFFFFA0];
	p0 =	slt.u32 s29, $0xF80;
	[tilespmem:s28+$0xFFFFFFC0] =	vst v4  }
0x78: {  	v4 =	vld [tilespmem:s30+$0xFFFFFFB0];
	[tilespmem:s28+$0xFFFFFFD0] =	vst v0  }
0x79: {  	v0 =	vld [tilespmem:s30+$0xFFFFFFC0];
	[tilespmem:s28+$0xFFFFFFE0] =	vst v1  }
0x7a: {  	v1 =	vld [tilespmem:s30+$0xFFFFFFD0];
	[tilespmem:s28+$0xFFFFFFF0] =	vst v2  }
0x7b: {  	v2 =	vld [tilespmem:s30+$0xFFFFFFE0];
	[tilespmem:s28+$0xFFFFFF90] =	vst v3  }
0x7c: {  	v3 =	vld [tilespmem:s30+$0xFFFFFFF0]  }
0x7d: {  	v7 =	vld [tilespmem:s30+$0xFFFFFF90]  }
0x7e: {  	v6 =	vld.idx.msk [tilespmem:v6+s6+$0x0], $0xffff  }
0x7f: {  	v8 =	vld.idx.msk [tilespmem:v5+s6+$0x0], $0xffff  }
0x80: {  	v5 =	vld.idx.msk [tilespmem:v4+s6+$0x0], $0xffff  }
.Ltmp8:
0x81: {  	v4 =	vld.idx.msk [tilespmem:v0+s6+$0x0], $0xffff;
	(pc) =	sbr.rel @p0 .LBB2_10-.Ltmp8, $4  }
0x82: {  	v0 =	vld.idx.msk [tilespmem:v1+s6+$0x0], $0xffff  }
0x83: {  	s28 =	sadd.s32 $0x100, s28;
	v1 =	vld.idx.msk [tilespmem:v2+s6+$0x0], $0xffff  }
0x84: {  	v2 =	vld.idx.msk [tilespmem:v3+s6+$0x0], $0xffff;
	[tilespmem:s28+$0x0] =	vst v6  }
0x85: {  	s30 =	sadd.s32 $0x80, s30;
	v3 =	vld.idx.msk [tilespmem:v7+s6+$0x0], $0xffff;
	[tilespmem:s28+$0xFFFFFFA0] =	vst v8  }
0x86: {  	[tilespmem:s28+$0xFFFFFFB0] =	vst v5  }
0x87: {  	[tilespmem:s28+$0xFFFFFFC0] =	vst v4  }
0x88: {  	[tilespmem:s28+$0xFFFFFFD0] =	vst v0  }
0x89: {  	[tilespmem:s28+$0xFFFFFFE0] =	vst v1  }
0x8a: {  	s29 =	sadd.s32 s26, s10;
	s30 =	simm.s32 $0x1C780;
	[tilespmem:s28+$0xFFFFFFF0] =	vst v2  }
0x8b: {  	s31 =	simm.s32 $0x1C880;
	s1 =	sadd.s32 $0x0, s29;
	[tilespmem:s28+$0xFFFFFF90] =	vst v3;
	s28 =	simm.s32 $0x80  }
.LBB2_12:
0x8c: {  	[hbm4b:s1+s6] =	stream.linear.scatter [tilespmem:s30], [sflag:$0x3], $0x80, $0x38;
	[tilespmem:$0x1E700] =	vst v63  }
0x8d: {  	s1 =	smov.u32 s28;
	s30 =	smov.u32 s31;
	p0 =	sne.s32 s28, $0xF80  }
.Ltmp9:
0x8e: {  	s28 =	sadd.s32 $0x80, s28;
	(pc) =	sbr.rel @p0 .LBB2_12-.Ltmp9, $2  }
0x8f: {  	_ =	sdelay $0x2  }
0x90: {  	s31 =	sadd.s32 $0x100, s31;
	s1 =	sadd.s32 s1, s29  }
0x91: {  	[hbm4b:s1+s6] =	stream.linear.scatter [tilespmem:s30], [sflag:$0x3], $0x80, $0x38;
	[tilespmem:$0x1E700] =	vst v63  }
0x92: {  	_ =	swait.ge [sflag:s19], $0x1000  }
0x93: {  	[sflag:s19] =	ssyncset.done $0x0  }
0x94: {  	s31 =	simm.s32 $0x1A770;
	[sflag:s19] =	ssyncadd.s32 $0xFFFFF000  }
0x95: {  	v0 =	vld [tilespmem:s31+$0x0]  }
0x96: {  	v1 =	vld [tilespmem:s31+$0xFFFFFFA0]  }
0x97: {  	v2 =	vld [tilespmem:s31+$0xFFFFFFB0]  }
0x98: {  	v3 =	vld [tilespmem:s31+$0xFFFFFFC0]  }
0x99: {  	v6 =	vld [tilespmem:s31+$0xFFFFFFD0]  }
0x9a: {  	v7 =	vld [tilespmem:s31+$0xFFFFFFE0]  }
0x9b: {  	v8 =	vld [tilespmem:s31+$0xFFFFFFF0]  }
0x9c: {  	v9 =	vld [tilespmem:s31+$0xFFFFFF90]  }
0x9d: {  	v10 =	vld.idx.msk [tilespmem:v0+s6+$0x0], $0xffff  }
0x9e: {  	v11 =	vld.idx.msk [tilespmem:v1+s6+$0x0], $0xffff  }
0x9f: {  	v5 =	vld.idx.msk [tilespmem:v2+s6+$0x0], $0xffff  }
0xa0: {  	v4 =	vld.idx.msk [tilespmem:v3+s6+$0x0], $0xffff  }
0xa1: {  	v0 =	vld.idx.msk [tilespmem:v6+s6+$0x0], $0xffff  }
0xa2: {  	s28 =	simm.s32 $0x1C740;
	v1 =	vld.idx.msk [tilespmem:v7+s6+$0x0], $0xffff  }
0xa3: {  	v2 =	vld.idx.msk [tilespmem:v8+s6+$0x0], $0xffff;
	[tilespmem:s28+$0x30] =	vst v10  }
0xa4: {  	s29 =	simm.s32 $0x0;
	s30 =	simm.s32 $0x1A7F0;
	v3 =	vld.idx.msk [tilespmem:v9+s6+$0x0], $0xffff;
	[tilespmem:s28+$0xFFFFFFD0] =	vst v11  }
.LBB2_14:
0xa5: {  	v6 =	vld [tilespmem:s30+$0x0];
	s29 =	sadd.s32 $0x80, s29;
	[tilespmem:s28+$0xFFFFFFE0] =	vst v5  }
0xa6: {  	v5 =	vld [tilespmem:s30+$0xFFFFFFA0];
	p0 =	slt.u32 s29, $0xF80;
	[tilespmem:s28+$0xFFFFFFF0] =	vst v4  }
0xa7: {  	v4 =	vld [tilespmem:s30+$0xFFFFFFB0];
	[tilespmem:s28+$0x0] =	vst v0  }
0xa8: {  	v0 =	vld [tilespmem:s30+$0xFFFFFFC0];
	[tilespmem:s28+$0x10] =	vst v1  }
0xa9: {  	v1 =	vld [tilespmem:s30+$0xFFFFFFD0];
	[tilespmem:s28+$0x20] =	vst v2  }
0xaa: {  	v2 =	vld [tilespmem:s30+$0xFFFFFFE0];
	[tilespmem:s28+$0xFFFFFFC0] =	vst v3  }
0xab: {  	v3 =	vld [tilespmem:s30+$0xFFFFFFF0]  }
0xac: {  	v7 =	vld [tilespmem:s30+$0xFFFFFF90]  }
0xad: {  	v6 =	vld.idx.msk [tilespmem:v6+s6+$0x0], $0xffff  }
0xae: {  	v8 =	vld.idx.msk [tilespmem:v5+s6+$0x0], $0xffff  }
0xaf: {  	v5 =	vld.idx.msk [tilespmem:v4+s6+$0x0], $0xffff  }
.Ltmp10:
0xb0: {  	v4 =	vld.idx.msk [tilespmem:v0+s6+$0x0], $0xffff;
	(pc) =	sbr.rel @p0 .LBB2_14-.Ltmp10, $4  }
0xb1: {  	v0 =	vld.idx.msk [tilespmem:v1+s6+$0x0], $0xffff  }
0xb2: {  	s28 =	sadd.s32 $0x100, s28;
	v1 =	vld.idx.msk [tilespmem:v2+s6+$0x0], $0xffff  }
0xb3: {  	v2 =	vld.idx.msk [tilespmem:v3+s6+$0x0], $0xffff;
	[tilespmem:s28+$0x30] =	vst v6  }
0xb4: {  	s30 =	sadd.s32 $0x80, s30;
	v3 =	vld.idx.msk [tilespmem:v7+s6+$0x0], $0xffff;
	[tilespmem:s28+$0xFFFFFFD0] =	vst v8  }
0xb5: {  	[tilespmem:s28+$0xFFFFFFE0] =	vst v5  }
0xb6: {  	[tilespmem:s28+$0xFFFFFFF0] =	vst v4  }
0xb7: {  	[tilespmem:s28+$0x0] =	vst v0  }
0xb8: {  	[tilespmem:s28+$0x10] =	vst v1  }
0xb9: {  	s29 =	sadd.s32 s26, s11;
	s30 =	simm.s32 $0x1C700;
	[tilespmem:s28+$0x20] =	vst v2  }
0xba: {  	s31 =	simm.s32 $0x1C800;
	s1 =	sadd.s32 $0x0, s29;
	[tilespmem:s28+$0xFFFFFFC0] =	vst v3;
	s28 =	simm.s32 $0x80  }
.LBB2_16:
0xbb: {  	[hbm4b:s1+s6] =	stream.linear.scatter [tilespmem:s30], [sflag:$0x2], $0x80, $0x38;
	[tilespmem:$0x1E700] =	vst v63  }
0xbc: {  	s1 =	smov.u32 s28;
	s30 =	smov.u32 s31;
	p0 =	sne.s32 s28, $0xF80  }
.Ltmp11:
0xbd: {  	s28 =	sadd.s32 $0x80, s28;
	(pc) =	sbr.rel @p0 .LBB2_16-.Ltmp11, $2  }
0xbe: {  	_ =	sdelay $0x2  }
0xbf: {  	s31 =	sadd.s32 $0x100, s31;
	s1 =	sadd.s32 s1, s29  }
0xc0: {  	[hbm4b:s1+s6] =	stream.linear.scatter [tilespmem:s30], [sflag:$0x2], $0x80, $0x38;
	[tilespmem:$0x1E700] =	vst v63  }
0xc1: {  	_ =	swait.ge [sflag:s20], $0x1000  }
0xc2: {  	[sflag:s20] =	ssyncset.done $0x0  }
0xc3: {  	s31 =	simm.s32 $0x1B770;
	[sflag:s20] =	ssyncadd.s32 $0xFFFFF000  }
0xc4: {  	v0 =	vld [tilespmem:s31+$0x0]  }
0xc5: {  	v1 =	vld [tilespmem:s31+$0xFFFFFFA0]  }
0xc6: {  	v2 =	vld [tilespmem:s31+$0xFFFFFFB0]  }
0xc7: {  	v3 =	vld [tilespmem:s31+$0xFFFFFFC0]  }
0xc8: {  	v6 =	vld [tilespmem:s31+$0xFFFFFFD0]  }
0xc9: {  	v7 =	vld [tilespmem:s31+$0xFFFFFFE0]  }
0xca: {  	v8 =	vld [tilespmem:s31+$0xFFFFFFF0]  }
0xcb: {  	v9 =	vld [tilespmem:s31+$0xFFFFFF90]  }
0xcc: {  	v10 =	vld.idx.msk [tilespmem:v0+s6+$0x0], $0xffff  }
0xcd: {  	v11 =	vld.idx.msk [tilespmem:v1+s6+$0x0], $0xffff  }
0xce: {  	v5 =	vld.idx.msk [tilespmem:v2+s6+$0x0], $0xffff  }
0xcf: {  	v4 =	vld.idx.msk [tilespmem:v3+s6+$0x0], $0xffff  }
0xd0: {  	v0 =	vld.idx.msk [tilespmem:v6+s6+$0x0], $0xffff  }
0xd1: {  	s28 =	simm.s32 $0x1C7F0;
	v1 =	vld.idx.msk [tilespmem:v7+s6+$0x0], $0xffff  }
0xd2: {  	v2 =	vld.idx.msk [tilespmem:v8+s6+$0x0], $0xffff;
	[tilespmem:s28+$0x0] =	vst v10  }
0xd3: {  	s29 =	simm.s32 $0x0;
	s30 =	simm.s32 $0x1B7F0;
	v3 =	vld.idx.msk [tilespmem:v9+s6+$0x0], $0xffff;
	[tilespmem:s28+$0xFFFFFFA0] =	vst v11  }
.LBB2_18:
0xd4: {  	v6 =	vld [tilespmem:s30+$0x0];
	s29 =	sadd.s32 $0x80, s29;
	[tilespmem:s28+$0xFFFFFFB0] =	vst v5  }
0xd5: {  	v5 =	vld [tilespmem:s30+$0xFFFFFFA0];
	p0 =	slt.u32 s29, $0xF80;
	[tilespmem:s28+$0xFFFFFFC0] =	vst v4  }
0xd6: {  	v4 =	vld [tilespmem:s30+$0xFFFFFFB0];
	[tilespmem:s28+$0xFFFFFFD0] =	vst v0  }
0xd7: {  	v0 =	vld [tilespmem:s30+$0xFFFFFFC0];
	[tilespmem:s28+$0xFFFFFFE0] =	vst v1  }
0xd8: {  	v1 =	vld [tilespmem:s30+$0xFFFFFFD0];
	[tilespmem:s28+$0xFFFFFFF0] =	vst v2  }
0xd9: {  	v2 =	vld [tilespmem:s30+$0xFFFFFFE0];
	[tilespmem:s28+$0xFFFFFF90] =	vst v3  }
0xda: {  	v3 =	vld [tilespmem:s30+$0xFFFFFFF0]  }
0xdb: {  	v7 =	vld [tilespmem:s30+$0xFFFFFF90]  }
0xdc: {  	v6 =	vld.idx.msk [tilespmem:v6+s6+$0x0], $0xffff  }
0xdd: {  	v8 =	vld.idx.msk [tilespmem:v5+s6+$0x0], $0xffff  }
0xde: {  	v5 =	vld.idx.msk [tilespmem:v4+s6+$0x0], $0xffff  }
.Ltmp12:
0xdf: {  	v4 =	vld.idx.msk [tilespmem:v0+s6+$0x0], $0xffff;
	(pc) =	sbr.rel @p0 .LBB2_18-.Ltmp12, $4  }
0xe0: {  	v0 =	vld.idx.msk [tilespmem:v1+s6+$0x0], $0xffff  }
0xe1: {  	s28 =	sadd.s32 $0x100, s28;
	v1 =	vld.idx.msk [tilespmem:v2+s6+$0x0], $0xffff  }
0xe2: {  	v2 =	vld.idx.msk [tilespmem:v3+s6+$0x0], $0xffff;
	[tilespmem:s28+$0x0] =	vst v6  }
0xe3: {  	s30 =	sadd.s32 $0x80, s30;
	v3 =	vld.idx.msk [tilespmem:v7+s6+$0x0], $0xffff;
	[tilespmem:s28+$0xFFFFFFA0] =	vst v8  }
0xe4: {  	[tilespmem:s28+$0xFFFFFFB0] =	vst v5  }
0xe5: {  	[tilespmem:s28+$0xFFFFFFC0] =	vst v4  }
0xe6: {  	[tilespmem:s28+$0xFFFFFFD0] =	vst v0  }
0xe7: {  	[tilespmem:s28+$0xFFFFFFE0] =	vst v1  }
0xe8: {  	s26 =	sadd.s32 s26, s12;
	s29 =	simm.s32 $0x1C780;
	[tilespmem:s28+$0xFFFFFFF0] =	vst v2  }
0xe9: {  	s30 =	simm.s32 $0x1C880;
	s1 =	sadd.s32 $0x0, s26;
	[tilespmem:s28+$0xFFFFFF90] =	vst v3;
	s28 =	simm.s32 $0x80  }
.LBB2_20:
0xea: {  	[hbm4b:s1+s6] =	stream.linear.scatter [tilespmem:s29], [sflag:$0x3], $0x80, $0x38;
	[tilespmem:$0x1E700] =	vst v63  }
0xeb: {  	s1 =	smov.u32 s28;
	s29 =	smov.u32 s30;
	p0 =	sne.s32 s28, $0xF80  }
.Ltmp13:
0xec: {  	s28 =	sadd.s32 $0x80, s28;
	(pc) =	sbr.rel @p0 .LBB2_20-.Ltmp13, $2  }
0xed: {  	_ =	sdelay $0x2  }
0xee: {  	s30 =	sadd.s32 $0x100, s30;
	s1 =	sadd.s32 s1, s26  }
0xef: {  	[hbm4b:s1+s6] =	stream.linear.scatter [tilespmem:s29], [sflag:$0x3], $0x80, $0x38;
	[tilespmem:$0x1E700] =	vst v63  }
0xf0: {  	s24 =	sadd.s32 $0x1, s24  }
0xf1: {  	_ =	swait.ge [sflag:s19], $0x1000;
	p0 =	slt.u32 s24, s25  }
.Ltmp14:
0xf2: {  	[sflag:s19] =	ssyncset.done $0x0;
	(pc) =	sbr.rel @p0 .LBB2_5-.Ltmp14, $4  }
.Ltmp15:
0xf3: {  	[sflag:s19] =	ssyncadd.s32 $0xFFFFF000;
	(pc) =	sbr.rel @!p0 .LBB2_3-.Ltmp15, $4  }
0xf4: {  	_ =	swait.ge [sflag:s20], $0x1000  }
0xf5: {  	[sflag:s20] =	ssyncset.done $0x0  }
0xf6: {  	[sflag:s20] =	ssyncadd.s32 $0xFFFFF000  }
0xf7: {  	_ = 	snop  }
.Lfunc_end2:
_tile_overlayer_lowered:
.L_overlay_start_2:
0xf8: {  	(tag) =	ssettag $0x2  }
0xf9: {  	s0 =	rddreg [dreg:$0x0];
	s2 =	stileid.u32  }
0xfa: {  	s1 =	rddreg [dreg:$0x1];
	p0 =	sne.s32 s2, $0x0  }
0xfb: {  	s3 =	rddreg [dreg:$0x2];
	[bflag:$0x3] =	sbarrier.arrive $0xFFFF;
	s2 =	simm.s32 @!p0 $0x1C04  }
0xfc: {  	[timem:s3], [sflag:s2] =	dma.local @!p0 [hbm:s0], s1  }
0xfd: {  	s0 =	simm.s32 @!p0 $0x4  }
0xfe: {  	_ =	swait.ge @!p0 [sflag:s0], s1  }
0xff: {  	s1 =	ssub.s32 @!p0 $0x0, s1;
	[sflag:s0] =	ssyncset.done @!p0 $0x0  }
0x100: {  	[sflag:s0] =	ssyncadd.s32 @!p0 s1  }
0x101: {  	[bflag:$0x3] =	sbarrier.arrive $0xFFFF  }
0x102: {  	_ =	shalt  }

</sc_bundles>
